<compile_context>
chip_gen: v7x
topology: tpu7x:2x2x1
jax: 0.10.2.dev20260603
libtpu: 0.0.44.dev20260713+nightly
codegen_flags: <defaults>
</compile_context>

<pallas_src>
import functools

import jax
import jax.numpy as jnp
from jax import lax
from jax.experimental import pallas as pl
from jax.experimental.pallas import tpu as pltpu
from jax.experimental.pallas import tpu_sc as plsc

N_NODES = 10000
N_EDGES = 320000
D = 128

NC = 2
NS = 16
NW = NC * NS
B = 128

FAST_CID = 0
CT = -(-N_EDGES // B)
CPP = -(-CT // NS)
NCH_F = -(-CPP * 100 // (100 + 73))
NCH_S = CPP - NCH_F
E_PAD = NS * CPP * B
N_ACC = -(-(N_NODES + 1) // (NS * 16)) * (NS * 16)
ZROWS = N_ACC // NS


def _make_segsum():
    mesh = plsc.VectorSubcoreMesh(core_axis_name="c", subcore_axis_name="s",
                                  num_cores=NC, num_subcores=NS)

    @functools.partial(
        pl.kernel,
        out_type=jax.ShapeDtypeStruct((NC, N_ACC, D), jnp.float32),
        mesh=mesh,
        scratch_types=[
            pltpu.VMEM((NCH_F, B), jnp.int32),
            pltpu.VMEM((NCH_F, B), jnp.int32),
            pltpu.VMEM((B, D), jnp.float32),
            pltpu.SemaphoreType.DMA,
            pltpu.VMEM_SHARED((N_ACC, D), jnp.float32),
        ],
    )
    def segsum(x_hbm, src_hbm, dst_hbm, out_hbm,
               src_v, dst_v, rows_v, sem, acc):
        cid = lax.axis_index("c")
        sid = lax.axis_index("s")
        wid = sid * NC + cid

        zv = jnp.zeros((16,), jnp.float32)

        @pl.loop(0, B)
        def _zrow(r):
            for c in range(D // 16):
                rows_v[r, pl.ds(c * 16, 16)] = zv

        for k in range(ZROWS // B):
            pltpu.sync_copy(rows_v, acc.at[pl.ds(sid * ZROWS + k * B, B)])
        pltpu.sync_copy(src_hbm.at[wid], src_v)
        pltpu.sync_copy(dst_hbm.at[wid], dst_v)
        plsc.subcore_barrier()

        nch = lax.select(cid == FAST_CID, NCH_F, NCH_S)

        @pl.loop(0, nch)
        def _chunk(j):
            pltpu.async_copy(x_hbm.at[src_v.at[j]], rows_v, sem).wait()
            pltpu.sync_copy(rows_v, acc.at[dst_v.at[j]], add=True)

        plsc.subcore_barrier()
        pltpu.sync_copy(acc.at[pl.ds(sid * ZROWS, ZROWS)],
                        out_hbm.at[cid, pl.ds(sid * ZROWS, ZROWS)])

    return segsum


_segsum = _make_segsum()


def _linrelu_body(seg_ref, w_ref, b_ref, out_ref):
    s = seg_ref[0] + seg_ref[1]
    out_ref[...] = jnp.maximum(
        jnp.dot(s.astype(jnp.bfloat16), w_ref[...].astype(jnp.bfloat16),
                preferred_element_type=jnp.float32)
        + b_ref[...], 0.0)


def _l2_pool_body(seg_ref, w2_ref, b2_ref, w3_ref, b3_ref, out_ref):
    i = pl.program_id(0)
    s = seg_ref[0] + seg_ref[1]
    h2 = jnp.maximum(
        jnp.dot(s.astype(jnp.bfloat16), w2_ref[...].astype(jnp.bfloat16),
                preferred_element_type=jnp.float32)
        + b2_ref[...], 0.0)
    colsum = jnp.sum(h2, axis=0, keepdims=True)

    @pl.when(i == 0)
    def _():
        out_ref[...] = colsum

    @pl.when(i > 0)
    def _():
        out_ref[...] = out_ref[...] + colsum

    @pl.when(i == pl.num_programs(0) - 1)
    def _():
        out_ref[...] = jnp.maximum(
            jnp.dot(out_ref[...], w3_ref[...],
                    preferred_element_type=jnp.float32)
            + b3_ref[...], 0.0)


_RB = 1000


def _linrelu(seg, w, b):
    grid = (N_NODES // _RB,)
    return pl.pallas_call(
        _linrelu_body,
        grid=grid,
        in_specs=[
            pl.BlockSpec((NC, _RB, D), lambda i: (0, i, 0)),
            pl.BlockSpec((D, D), lambda i: (0, 0)),
            pl.BlockSpec((1, D), lambda i: (0, 0)),
        ],
        out_specs=pl.BlockSpec((_RB, D), lambda i: (i, 0)),
        out_shape=jax.ShapeDtypeStruct((N_NODES, D), jnp.float32),
    )(seg, w, b)


def _l2_pool(seg, w2, b2, w3, b3):
    grid = (N_NODES // _RB,)
    return pl.pallas_call(
        _l2_pool_body,
        grid=grid,
        in_specs=[
            pl.BlockSpec((NC, _RB, D), lambda i: (0, i, 0)),
            pl.BlockSpec((D, D), lambda i: (0, 0)),
            pl.BlockSpec((1, D), lambda i: (0, 0)),
            pl.BlockSpec((D, D), lambda i: (0, 0)),
            pl.BlockSpec((1, D), lambda i: (0, 0)),
        ],
        out_specs=pl.BlockSpec((1, D), lambda i: (0, 0)),
        out_shape=jax.ShapeDtypeStruct((1, D), jnp.float32),
    )(seg, w2, b2, w3, b3)


def _layout_edges(e, fill):
    pad = E_PAD - N_EDGES
    ep = jnp.concatenate([e, jnp.full((pad,), fill, jnp.int32)]
                         ).reshape(NS, CPP * B)
    fast = ep[:, :NCH_F * B].reshape(NS, 1, NCH_F, B)
    slow = jnp.concatenate(
        [ep[:, NCH_F * B:],
         jnp.full((NS, (NCH_F - NCH_S) * B), fill, jnp.int32)],
        axis=1).reshape(NS, 1, NCH_F, B)
    pair = [fast, slow] if FAST_CID == 0 else [slow, fast]
    return jnp.concatenate(pair, axis=1).reshape(NW, NCH_F, B)


def kernel(x, edge_index, W1, b1, W2, b2, W3, b3):
    src = edge_index[0].astype(jnp.int32)
    dst = edge_index[1].astype(jnp.int32)
    src_p = _layout_edges(src, 0)
    dst_p = _layout_edges(dst, N_NODES)

    b1r = b1.reshape(1, D)
    b2r = b2.reshape(1, D)
    b3r = b3.reshape(1, D)

    seg1 = _segsum(x, src_p, dst_p)
    h = _linrelu(seg1, W1, b1r)
    seg2 = _segsum(h, src_p, dst_p)
    out = _l2_pool(seg2, W2, b2r, W3, b3r)
    return out

# --- scband reference (transcript-rebuilt; emitter-appended) ---
"""Pipeline reference for scband-net-81604378624770 (READ-ONLY COPY).

The authoritative reference and input builder live on the scoring server;
editing this copy changes nothing except your own understanding.
"""

import jax, jax.numpy as jnp
import numpy as np

N_NODES = 10000
N_EDGES = 320000
D_IN = 128
D_HID = 128
D_OUT = 128


def setup_inputs(seed: int = 0) -> dict:
    key = jax.random.key(seed)
    k1, k2, k3, k4, k5 = jax.random.split(key, 5)
    x = jax.random.normal(k1, (N_NODES, D_IN), dtype=jnp.float32)
    edge_index = jax.random.randint(k2, (2, N_EDGES), 0, N_NODES, dtype=jnp.int64)
    s1 = 1.0 / np.sqrt(D_IN)
    s2 = 1.0 / np.sqrt(D_HID)
    W1 = jax.random.uniform(k3, (D_IN, D_HID), dtype=jnp.float32, minval=-s1, maxval=s1)
    b1 = jnp.zeros((D_HID,), dtype=jnp.float32)
    W2 = jax.random.uniform(k4, (D_HID, D_HID), dtype=jnp.float32, minval=-s2, maxval=s2)
    b2 = jnp.zeros((D_HID,), dtype=jnp.float32)
    W3 = jax.random.uniform(k5, (D_HID, D_OUT), dtype=jnp.float32, minval=-s2, maxval=s2)
    b3 = jnp.zeros((D_OUT,), dtype=jnp.float32)
    return {"x": x, "edge_index": edge_index, "W1": W1, "b1": b1, "W2": W2, "b2": b2, "W3": W3, "b3": b3}


def reference(x, edge_index, W1, b1, W2, b2, W3, b3):
    src = edge_index[0]
    dst = edge_index[1]
    n = x.shape[0]
    # GCNLayer 1: copy_src -> sum reduce (scatter-add by dst), then linear
    h = jax.ops.segment_sum(jnp.take(x, src, axis=0), dst, num_segments=n)
    h = h @ W1 + b1
    h = jax.nn.relu(h)
    # GCNLayer 2
    h2 = jax.ops.segment_sum(jnp.take(h, src, axis=0), dst, num_segments=n)
    h2 = h2 @ W2 + b2
    h2 = jax.nn.relu(h2)
    # SumPooling over the single graph in the batch -> [1, D_HID]
    pooled = jnp.sum(h2, axis=0, keepdims=True)
    out = jax.nn.relu(pooled @ W3 + b3)
    return out

if __name__ == "__main__":
    import jax
    _d = setup_inputs()
    print(jax.jit(kernel)(*tuple(_d.values())))

</pallas_src>

<mosaic_0001>
#map = affine_map<(d0, d1) -> (0, 0)>
#map1 = affine_map<(d0, d1) -> (0, 0, 0)>
module attributes {stable_mosaic.version = 14 : i64} {
  func.func @segsum(%arg0: i32, %arg1: i32, %arg2: memref<10000x128xf32, #tpu.memory_space<hbm>>, %arg3: memref<32x91x128xi32, #tpu.memory_space<hbm>>, %arg4: memref<32x91x128xi32, #tpu.memory_space<hbm>>, %arg5: memref<2x10240x128xf32, #tpu.memory_space<hbm>>, %arg6: memref<91x128xi32, #tpu.memory_space<vmem>>, %arg7: memref<91x128xi32, #tpu.memory_space<vmem>>, %arg8: memref<128x128xf32, #tpu.memory_space<vmem>>, %arg9: memref<!tpu.dma_semaphore, #tpu.memory_space<semaphore_mem>>, %arg10: memref<10240x128xf32, #tpu.memory_space<vmem_shared>>) attributes {dimension_semantics = [#tpu.dimension_semantics<core_parallel>, #tpu.dimension_semantics<subcore_parallel>], iteration_bounds = array<i64: 2, 16>, scalar_prefetch = 0 : i64, scratch_operands = 5 : i64, tpu.core_type = #tpu.core_type<sc_vector_subcore>, window_params = [{transform_indices = #map}, {transform_indices = #map1}, {transform_indices = #map1}, {transform_indices = #map1}]} {
    %mul3A = arith.constant 2 : i32
    %mul3A_0 = arith.muli %arg1, %mul3A : i32
    %add3A = arith.addi %mul3A_0, %arg0 : i32
    %broadcast_in_dim3A = arith.constant 0.000000e+00 : f32
    %broadcast_in_dim3A_1 = vector.broadcast %broadcast_in_dim3A : f32 to vector<16xf32>
    %scan3A = arith.constant 0 : i32
    %scan3A_2 = arith.constant 128 : i32
    %scan3A_3 = arith.addi %scan3A, %scan3A_2 : i32
    %scan3A_4 = arith.constant 1 : i32
    scf.for %scan3A_50 = %scan3A to %scan3A_3 step %scan3A_4  : i32 {
      %mul3A_51 = arith.constant 1 : i32
      %mul3A_52 = arith.muli %scan3A_50, %mul3A_51 : i32
      %add3A_53 = arith.constant 0 : i32
      %add3A_54 = arith.addi %add3A_53, %mul3A_52 : i32
      %swap3A = arith.index_cast %add3A_54 : i32 to index
      %swap3A_55 = arith.constant 0 : index
      %swap3A_56 = tpu.vector_load %arg8[%swap3A, %swap3A_55] {strides = array<i32>} : memref<128x128xf32, #tpu.memory_space<vmem>>, vector<1x16xf32>,
      %swap3A_57 = vector.shape_cast %swap3A_56 : vector<1x16xf32> to vector<16xf32>
      %swap3A_58 = vector.shape_cast %broadcast_in_dim3A_1 : vector<16xf32> to vector<1x16xf32>
      tpu.vector_store %arg8[%swap3A, %swap3A_55], %swap3A_58 {strides = array<i32>} : memref<128x128xf32, #tpu.memory_space<vmem>>, vector<1x16xf32>,
      %swap3A_59 = arith.index_cast %add3A_54 : i32 to index
      %swap3A_60 = arith.constant 16 : index
      %swap3A_61 = tpu.vector_load %arg8[%swap3A_59, %swap3A_60] {strides = array<i32>} : memref<128x128xf32, #tpu.memory_space<vmem>>, vector<1x16xf32>,
      %swap3A_62 = vector.shape_cast %swap3A_61 : vector<1x16xf32> to vector<16xf32>
      %swap3A_63 = vector.shape_cast %broadcast_in_dim3A_1 : vector<16xf32> to vector<1x16xf32>
      tpu.vector_store %arg8[%swap3A_59, %swap3A_60], %swap3A_63 {strides = array<i32>} : memref<128x128xf32, #tpu.memory_space<vmem>>, vector<1x16xf32>,
      %swap3A_64 = arith.index_cast %add3A_54 : i32 to index
      %swap3A_65 = arith.constant 32 : index
      %swap3A_66 = tpu.vector_load %arg8[%swap3A_64, %swap3A_65] {strides = array<i32>} : memref<128x128xf32, #tpu.memory_space<vmem>>, vector<1x16xf32>,
      %swap3A_67 = vector.shape_cast %swap3A_66 : vector<1x16xf32> to vector<16xf32>
      %swap3A_68 = vector.shape_cast %broadcast_in_dim3A_1 : vector<16xf32> to vector<1x16xf32>
      tpu.vector_store %arg8[%swap3A_64, %swap3A_65], %swap3A_68 {strides = array<i32>} : memref<128x128xf32, #tpu.memory_space<vmem>>, vector<1x16xf32>,
      %swap3A_69 = arith.index_cast %add3A_54 : i32 to index
      %swap3A_70 = arith.constant 48 : index
      %swap3A_71 = tpu.vector_load %arg8[%swap3A_69, %swap3A_70] {strides = array<i32>} : memref<128x128xf32, #tpu.memory_space<vmem>>, vector<1x16xf32>,
      %swap3A_72 = vector.shape_cast %swap3A_71 : vector<1x16xf32> to vector<16xf32>
      %swap3A_73 = vector.shape_cast %broadcast_in_dim3A_1 : vector<16xf32> to vector<1x16xf32>
      tpu.vector_store %arg8[%swap3A_69, %swap3A_70], %swap3A_73 {strides = array<i32>} : memref<128x128xf32, #tpu.memory_space<vmem>>, vector<1x16xf32>,
      %swap3A_74 = arith.index_cast %add3A_54 : i32 to index
      %swap3A_75 = arith.constant 64 : index
      %swap3A_76 = tpu.vector_load %arg8[%swap3A_74, %swap3A_75] {strides = array<i32>} : memref<128x128xf32, #tpu.memory_space<vmem>>, vector<1x16xf32>,
      %swap3A_77 = vector.shape_cast %swap3A_76 : vector<1x16xf32> to vector<16xf32>
      %swap3A_78 = vector.shape_cast %broadcast_in_dim3A_1 : vector<16xf32> to vector<1x16xf32>
      tpu.vector_store %arg8[%swap3A_74, %swap3A_75], %swap3A_78 {strides = array<i32>} : memref<128x128xf32, #tpu.memory_space<vmem>>, vector<1x16xf32>,
      %swap3A_79 = arith.index_cast %add3A_54 : i32 to index
      %swap3A_80 = arith.constant 80 : index
      %swap3A_81 = tpu.vector_load %arg8[%swap3A_79, %swap3A_80] {strides = array<i32>} : memref<128x128xf32, #tpu.memory_space<vmem>>, vector<1x16xf32>,
      %swap3A_82 = vector.shape_cast %swap3A_81 : vector<1x16xf32> to vector<16xf32>
      %swap3A_83 = vector.shape_cast %broadcast_in_dim3A_1 : vector<16xf32> to vector<1x16xf32>
      tpu.vector_store %arg8[%swap3A_79, %swap3A_80], %swap3A_83 {strides = array<i32>} : memref<128x128xf32, #tpu.memory_space<vmem>>, vector<1x16xf32>,
      %swap3A_84 = arith.index_cast %add3A_54 : i32 to index
      %swap3A_85 = arith.constant 96 : index
      %swap3A_86 = tpu.vector_load %arg8[%swap3A_84, %swap3A_85] {strides = array<i32>} : memref<128x128xf32, #tpu.memory_space<vmem>>, vector<1x16xf32>,
      %swap3A_87 = vector.shape_cast %swap3A_86 : vector<1x16xf32> to vector<16xf32>
      %swap3A_88 = vector.shape_cast %broadcast_in_dim3A_1 : vector<16xf32> to vector<1x16xf32>
      tpu.vector_store %arg8[%swap3A_84, %swap3A_85], %swap3A_88 {strides = array<i32>} : memref<128x128xf32, #tpu.memory_space<vmem>>, vector<1x16xf32>,
      %swap3A_89 = arith.index_cast %add3A_54 : i32 to index
      %swap3A_90 = arith.constant 112 : index
      %swap3A_91 = tpu.vector_load %arg8[%swap3A_89, %swap3A_90] {strides = array<i32>} : memref<128x128xf32, #tpu.memory_space<vmem>>, vector<1x16xf32>,
      %swap3A_92 = vector.shape_cast %swap3A_91 : vector<1x16xf32> to vector<16xf32>
      %swap3A_93 = vector.shape_cast %broadcast_in_dim3A_1 : vector<16xf32> to vector<1x16xf32>
      tpu.vector_store %arg8[%swap3A_89, %swap3A_90], %swap3A_93 {strides = array<i32>} : memref<128x128xf32, #tpu.memory_space<vmem>>, vector<1x16xf32>,
    }
    %scan3A_5 = arith.constant 128 : i32
    %mul3A_6 = arith.constant 640 : i32
    %mul3A_7 = arith.muli %arg1, %mul3A_6 : i32
    %add3A_8 = arith.constant 0 : i32
    %add3A_9 = arith.addi %mul3A_7, %add3A_8 : i32
    "tpu.region"() ({
      %run_scoped3A = tpu.sem_alloc : memref<!tpu.dma_semaphore, #tpu.memory_space<semaphore_mem>>
      %dma_start3A = arith.constant 0 : i32
      %dma_start3A_50 = tpu.memref_slice %arg10[%add3A_9, %dma_start3A] : memref<10240x128xf32, #tpu.memory_space<vmem_shared>> -> memref<128x128xf32, #tpu.memory_space<vmem_shared>>
      %dma_start3A_51 = arith.constant 0 : i32
      %dma_start3A_52 = tpu.memref_slice %arg10[%add3A_9, %dma_start3A_51] : memref<10240x128xf32, #tpu.memory_space<vmem_shared>> -> memref<128x128xf32, #tpu.memory_space<vmem_shared>>
      tpu.enqueue_dma source(%arg8 : memref<128x128xf32, #tpu.memory_space<vmem>>) target(%dma_start3A_52 : memref<128x128xf32, #tpu.memory_space<vmem_shared>>) target_semaphore(%run_scoped3A : memref<!tpu.dma_semaphore, #tpu.memory_space<semaphore_mem>>)
      %dma_wait3A = arith.constant 0 : i32
      %dma_wait3A_53 = tpu.memref_slice %arg10[%add3A_9, %dma_wait3A] : memref<10240x128xf32, #tpu.memory_space<vmem_shared>> -> memref<128x128xf32, #tpu.memory_space<vmem_shared>>
      %dma_wait3A_54 = arith.constant 0 : i32
      %dma_wait3A_55 = tpu.memref_slice %arg10[%add3A_9, %dma_wait3A_54] : memref<10240x128xf32, #tpu.memory_space<vmem_shared>> -> memref<128x128xf32, #tpu.memory_space<vmem_shared>>
      tpu.wait_dma2 semaphore(%run_scoped3A : memref<!tpu.dma_semaphore, #tpu.memory_space<semaphore_mem>>) src(%arg8 : memref<128x128xf32, #tpu.memory_space<vmem>>) dst(%dma_wait3A_55 : memref<128x128xf32, #tpu.memory_space<vmem_shared>>)
      tpu.yield
    }) : () -> ()
    %mul3A_10 = arith.constant 640 : i32
    %mul3A_11 = arith.muli %arg1, %mul3A_10 : i32
    %add3A_12 = arith.constant 128 : i32
    %add3A_13 = arith.addi %mul3A_11, %add3A_12 : i32
    "tpu.region"() ({
      %run_scoped3A = tpu.sem_alloc : memref<!tpu.dma_semaphore, #tpu.memory_space<semaphore_mem>>
      %dma_start3A = arith.constant 0 : i32
      %dma_start3A_50 = tpu.memref_slice %arg10[%add3A_13, %dma_start3A] : memref<10240x128xf32, #tpu.memory_space<vmem_shared>> -> memref<128x128xf32, #tpu.memory_space<vmem_shared>>
      %dma_start3A_51 = arith.constant 0 : i32
      %dma_start3A_52 = tpu.memref_slice %arg10[%add3A_13, %dma_start3A_51] : memref<10240x128xf32, #tpu.memory_space<vmem_shared>> -> memref<128x128xf32, #tpu.memory_space<vmem_shared>>
      tpu.enqueue_dma source(%arg8 : memref<128x128xf32, #tpu.memory_space<vmem>>) target(%dma_start3A_52 : memref<128x128xf32, #tpu.memory_space<vmem_shared>>) target_semaphore(%run_scoped3A : memref<!tpu.dma_semaphore, #tpu.memory_space<semaphore_mem>>)
      %dma_wait3A = arith.constant 0 : i32
      %dma_wait3A_53 = tpu.memref_slice %arg10[%add3A_13, %dma_wait3A] : memref<10240x128xf32, #tpu.memory_space<vmem_shared>> -> memref<128x128xf32, #tpu.memory_space<vmem_shared>>
      %dma_wait3A_54 = arith.constant 0 : i32
      %dma_wait3A_55 = tpu.memref_slice %arg10[%add3A_13, %dma_wait3A_54] : memref<10240x128xf32, #tpu.memory_space<vmem_shared>> -> memref<128x128xf32, #tpu.memory_space<vmem_shared>>
      tpu.wait_dma2 semaphore(%run_scoped3A : memref<!tpu.dma_semaphore, #tpu.memory_space<semaphore_mem>>) src(%arg8 : memref<128x128xf32, #tpu.memory_space<vmem>>) dst(%dma_wait3A_55 : memref<128x128xf32, #tpu.memory_space<vmem_shared>>)
      tpu.yield
    }) : () -> ()
    %mul3A_14 = arith.constant 640 : i32
    %mul3A_15 = arith.muli %arg1, %mul3A_14 : i32
    %add3A_16 = arith.constant 256 : i32
    %add3A_17 = arith.addi %mul3A_15, %add3A_16 : i32
    "tpu.region"() ({
      %run_scoped3A = tpu.sem_alloc : memref<!tpu.dma_semaphore, #tpu.memory_space<semaphore_mem>>
      %dma_start3A = arith.constant 0 : i32
      %dma_start3A_50 = tpu.memref_slice %arg10[%add3A_17, %dma_start3A] : memref<10240x128xf32, #tpu.memory_space<vmem_shared>> -> memref<128x128xf32, #tpu.memory_space<vmem_shared>>
      %dma_start3A_51 = arith.constant 0 : i32
      %dma_start3A_52 = tpu.memref_slice %arg10[%add3A_17, %dma_start3A_51] : memref<10240x128xf32, #tpu.memory_space<vmem_shared>> -> memref<128x128xf32, #tpu.memory_space<vmem_shared>>
      tpu.enqueue_dma source(%arg8 : memref<128x128xf32, #tpu.memory_space<vmem>>) target(%dma_start3A_52 : memref<128x128xf32, #tpu.memory_space<vmem_shared>>) target_semaphore(%run_scoped3A : memref<!tpu.dma_semaphore, #tpu.memory_space<semaphore_mem>>)
      %dma_wait3A = arith.constant 0 : i32
      %dma_wait3A_53 = tpu.memref_slice %arg10[%add3A_17, %dma_wait3A] : memref<10240x128xf32, #tpu.memory_space<vmem_shared>> -> memref<128x128xf32, #tpu.memory_space<vmem_shared>>
      %dma_wait3A_54 = arith.constant 0 : i32
      %dma_wait3A_55 = tpu.memref_slice %arg10[%add3A_17, %dma_wait3A_54] : memref<10240x128xf32, #tpu.memory_space<vmem_shared>> -> memref<128x128xf32, #tpu.memory_space<vmem_shared>>
      tpu.wait_dma2 semaphore(%run_scoped3A : memref<!tpu.dma_semaphore, #tpu.memory_space<semaphore_mem>>) src(%arg8 : memref<128x128xf32, #tpu.memory_space<vmem>>) dst(%dma_wait3A_55 : memref<128x128xf32, #tpu.memory_space<vmem_shared>>)
      tpu.yield
    }) : () -> ()
    %mul3A_18 = arith.constant 640 : i32
    %mul3A_19 = arith.muli %arg1, %mul3A_18 : i32
    %add3A_20 = arith.constant 384 : i32
    %add3A_21 = arith.addi %mul3A_19, %add3A_20 : i32
    "tpu.region"() ({
      %run_scoped3A = tpu.sem_alloc : memref<!tpu.dma_semaphore, #tpu.memory_space<semaphore_mem>>
      %dma_start3A = arith.constant 0 : i32
      %dma_start3A_50 = tpu.memref_slice %arg10[%add3A_21, %dma_start3A] : memref<10240x128xf32, #tpu.memory_space<vmem_shared>> -> memref<128x128xf32, #tpu.memory_space<vmem_shared>>
      %dma_start3A_51 = arith.constant 0 : i32
      %dma_start3A_52 = tpu.memref_slice %arg10[%add3A_21, %dma_start3A_51] : memref<10240x128xf32, #tpu.memory_space<vmem_shared>> -> memref<128x128xf32, #tpu.memory_space<vmem_shared>>
      tpu.enqueue_dma source(%arg8 : memref<128x128xf32, #tpu.memory_space<vmem>>) target(%dma_start3A_52 : memref<128x128xf32, #tpu.memory_space<vmem_shared>>) target_semaphore(%run_scoped3A : memref<!tpu.dma_semaphore, #tpu.memory_space<semaphore_mem>>)
      %dma_wait3A = arith.constant 0 : i32
      %dma_wait3A_53 = tpu.memref_slice %arg10[%add3A_21, %dma_wait3A] : memref<10240x128xf32, #tpu.memory_space<vmem_shared>> -> memref<128x128xf32, #tpu.memory_space<vmem_shared>>
      %dma_wait3A_54 = arith.constant 0 : i32
      %dma_wait3A_55 = tpu.memref_slice %arg10[%add3A_21, %dma_wait3A_54] : memref<10240x128xf32, #tpu.memory_space<vmem_shared>> -> memref<128x128xf32, #tpu.memory_space<vmem_shared>>
      tpu.wait_dma2 semaphore(%run_scoped3A : memref<!tpu.dma_semaphore, #tpu.memory_space<semaphore_mem>>) src(%arg8 : memref<128x128xf32, #tpu.memory_space<vmem>>) dst(%dma_wait3A_55 : memref<128x128xf32, #tpu.memory_space<vmem_shared>>)
      tpu.yield
    }) : () -> ()
    %mul3A_22 = arith.constant 640 : i32
    %mul3A_23 = arith.muli %arg1, %mul3A_22 : i32
    %add3A_24 = arith.constant 512 : i32
    %add3A_25 = arith.addi %mul3A_23, %add3A_24 : i32
    "tpu.region"() ({
      %run_scoped3A = tpu.sem_alloc : memref<!tpu.dma_semaphore, #tpu.memory_space<semaphore_mem>>
      %dma_start3A = arith.constant 0 : i32
      %dma_start3A_50 = tpu.memref_slice %arg10[%add3A_25, %dma_start3A] : memref<10240x128xf32, #tpu.memory_space<vmem_shared>> -> memref<128x128xf32, #tpu.memory_space<vmem_shared>>
      %dma_start3A_51 = arith.constant 0 : i32
      %dma_start3A_52 = tpu.memref_slice %arg10[%add3A_25, %dma_start3A_51] : memref<10240x128xf32, #tpu.memory_space<vmem_shared>> -> memref<128x128xf32, #tpu.memory_space<vmem_shared>>
      tpu.enqueue_dma source(%arg8 : memref<128x128xf32, #tpu.memory_space<vmem>>) target(%dma_start3A_52 : memref<128x128xf32, #tpu.memory_space<vmem_shared>>) target_semaphore(%run_scoped3A : memref<!tpu.dma_semaphore, #tpu.memory_space<semaphore_mem>>)
      %dma_wait3A = arith.constant 0 : i32
      %dma_wait3A_53 = tpu.memref_slice %arg10[%add3A_25, %dma_wait3A] : memref<10240x128xf32, #tpu.memory_space<vmem_shared>> -> memref<128x128xf32, #tpu.memory_space<vmem_shared>>
      %dma_wait3A_54 = arith.constant 0 : i32
      %dma_wait3A_55 = tpu.memref_slice %arg10[%add3A_25, %dma_wait3A_54] : memref<10240x128xf32, #tpu.memory_space<vmem_shared>> -> memref<128x128xf32, #tpu.memory_space<vmem_shared>>
      tpu.wait_dma2 semaphore(%run_scoped3A : memref<!tpu.dma_semaphore, #tpu.memory_space<semaphore_mem>>) src(%arg8 : memref<128x128xf32, #tpu.memory_space<vmem>>) dst(%dma_wait3A_55 : memref<128x128xf32, #tpu.memory_space<vmem_shared>>)
      tpu.yield
    }) : () -> ()
    "tpu.region"() ({
      %run_scoped3A = tpu.sem_alloc : memref<!tpu.dma_semaphore, #tpu.memory_space<semaphore_mem>>
      %dma_start3A = arith.constant 0 : i32
      %dma_start3A_50 = arith.constant 0 : i32
      %dma_start3A_51 = tpu.memref_slice %arg3[%add3A, %dma_start3A, %dma_start3A_50] : memref<32x91x128xi32, #tpu.memory_space<hbm>> -> memref<1x91x128xi32, #tpu.memory_space<hbm>>
      %dma_start3A_52 = tpu.memref_squeeze %dma_start3A_51 : memref<1x91x128xi32, #tpu.memory_space<hbm>> -> memref<91x128xi32, #tpu.memory_space<hbm>>
      %dma_start3A_53 = arith.constant 0 : i32
      %dma_start3A_54 = arith.constant 0 : i32
      %dma_start3A_55 = tpu.memref_slice %arg3[%add3A, %dma_start3A_53, %dma_start3A_54] : memref<32x91x128xi32, #tpu.memory_space<hbm>> -> memref<1x91x128xi32, #tpu.memory_space<hbm>>
      %dma_start3A_56 = tpu.memref_squeeze %dma_start3A_55 : memref<1x91x128xi32, #tpu.memory_space<hbm>> -> memref<91x128xi32, #tpu.memory_space<hbm>>
      tpu.enqueue_dma source(%dma_start3A_56 : memref<91x128xi32, #tpu.memory_space<hbm>>) target(%arg6 : memref<91x128xi32, #tpu.memory_space<vmem>>) target_semaphore(%run_scoped3A : memref<!tpu.dma_semaphore, #tpu.memory_space<semaphore_mem>>)
      %dma_wait3A = arith.constant 0 : i32
      %dma_wait3A_57 = arith.constant 0 : i32
      %dma_wait3A_58 = tpu.memref_slice %arg3[%add3A, %dma_wait3A, %dma_wait3A_57] : memref<32x91x128xi32, #tpu.memory_space<hbm>> -> memref<1x91x128xi32, #tpu.memory_space<hbm>>
      %dma_wait3A_59 = tpu.memref_squeeze %dma_wait3A_58 : memref<1x91x128xi32, #tpu.memory_space<hbm>> -> memref<91x128xi32, #tpu.memory_space<hbm>>
      %dma_wait3A_60 = arith.constant 0 : i32
      %dma_wait3A_61 = arith.constant 0 : i32
      %dma_wait3A_62 = tpu.memref_slice %arg3[%add3A, %dma_wait3A_60, %dma_wait3A_61] : memref<32x91x128xi32, #tpu.memory_space<hbm>> -> memref<1x91x128xi32, #tpu.memory_space<hbm>>
      %dma_wait3A_63 = tpu.memref_squeeze %dma_wait3A_62 : memref<1x91x128xi32, #tpu.memory_space<hbm>> -> memref<91x128xi32, #tpu.memory_space<hbm>>
      tpu.wait_dma2 semaphore(%run_scoped3A : memref<!tpu.dma_semaphore, #tpu.memory_space<semaphore_mem>>) src(%dma_wait3A_63 : memref<91x128xi32, #tpu.memory_space<hbm>>) dst(%arg6 : memref<91x128xi32, #tpu.memory_space<vmem>>)
      tpu.yield
    }) : () -> ()
    "tpu.region"() ({
      %run_scoped3A = tpu.sem_alloc : memref<!tpu.dma_semaphore, #tpu.memory_space<semaphore_mem>>
      %dma_start3A = arith.constant 0 : i32
      %dma_start3A_50 = arith.constant 0 : i32
      %dma_start3A_51 = tpu.memref_slice %arg4[%add3A, %dma_start3A, %dma_start3A_50] : memref<32x91x128xi32, #tpu.memory_space<hbm>> -> memref<1x91x128xi32, #tpu.memory_space<hbm>>
      %dma_start3A_52 = tpu.memref_squeeze %dma_start3A_51 : memref<1x91x128xi32, #tpu.memory_space<hbm>> -> memref<91x128xi32, #tpu.memory_space<hbm>>
      %dma_start3A_53 = arith.constant 0 : i32
      %dma_start3A_54 = arith.constant 0 : i32
      %dma_start3A_55 = tpu.memref_slice %arg4[%add3A, %dma_start3A_53, %dma_start3A_54] : memref<32x91x128xi32, #tpu.memory_space<hbm>> -> memref<1x91x128xi32, #tpu.memory_space<hbm>>
      %dma_start3A_56 = tpu.memref_squeeze %dma_start3A_55 : memref<1x91x128xi32, #tpu.memory_space<hbm>> -> memref<91x128xi32, #tpu.memory_space<hbm>>
      tpu.enqueue_dma source(%dma_start3A_56 : memref<91x128xi32, #tpu.memory_space<hbm>>) target(%arg7 : memref<91x128xi32, #tpu.memory_space<vmem>>) target_semaphore(%run_scoped3A : memref<!tpu.dma_semaphore, #tpu.memory_space<semaphore_mem>>)
      %dma_wait3A = arith.constant 0 : i32
      %dma_wait3A_57 = arith.constant 0 : i32
      %dma_wait3A_58 = tpu.memref_slice %arg4[%add3A, %dma_wait3A, %dma_wait3A_57] : memref<32x91x128xi32, #tpu.memory_space<hbm>> -> memref<1x91x128xi32, #tpu.memory_space<hbm>>
      %dma_wait3A_59 = tpu.memref_squeeze %dma_wait3A_58 : memref<1x91x128xi32, #tpu.memory_space<hbm>> -> memref<91x128xi32, #tpu.memory_space<hbm>>
      %dma_wait3A_60 = arith.constant 0 : i32
      %dma_wait3A_61 = arith.constant 0 : i32
      %dma_wait3A_62 = tpu.memref_slice %arg4[%add3A, %dma_wait3A_60, %dma_wait3A_61] : memref<32x91x128xi32, #tpu.memory_space<hbm>> -> memref<1x91x128xi32, #tpu.memory_space<hbm>>
      %dma_wait3A_63 = tpu.memref_squeeze %dma_wait3A_62 : memref<1x91x128xi32, #tpu.memory_space<hbm>> -> memref<91x128xi32, #tpu.memory_space<hbm>>
      tpu.wait_dma2 semaphore(%run_scoped3A : memref<!tpu.dma_semaphore, #tpu.memory_space<semaphore_mem>>) src(%dma_wait3A_63 : memref<91x128xi32, #tpu.memory_space<hbm>>) dst(%arg7 : memref<91x128xi32, #tpu.memory_space<vmem>>)
      tpu.yield
    }) : () -> ()
    %barrier3A = arith.constant 0 : index
    tpu.barrier barrier_id(%barrier3A)
    %eq3A = arith.constant 0 : i32
    %eq3A_26 = arith.cmpi eq, %arg0, %eq3A : i32
    %select_n3A = arith.constant 66 : i32
    %select_n3A_27 = arith.constant 91 : i32
    %select_n3A_28 = arith.select %eq3A_26, %select_n3A_27, %select_n3A : i32
    %sub3A = arith.constant 0 : i32
    %sub3A_29 = arith.subi %select_n3A_28, %sub3A : i32
    %sub3A_30 = arith.constant 1 : i32
    %sub3A_31 = arith.constant 1 : i32
    %sub3A_32 = arith.subi %sub3A_30, %sub3A_31 : i32
    %add3A_33 = arith.addi %sub3A_29, %sub3A_32 : i32
    %div3A = arith.constant 1 : i32
    %div3A_34 = arith.divsi %add3A_33, %div3A : i32
    %while3A = arith.constant 1 : i32
    %while3A_35 = arith.constant 0 : i32
    %while3A_36 = arith.constant 0 : i32
    %while3A_37 = arith.subi %div3A_34, %while3A_36 : i32
    %while3A_38 = arith.addi %while3A_36, %while3A_37 : i32
    %while3A_39 = arith.constant 1 : i32
    %while3A_40 = arith.divsi %while3A_37, %while3A_39 : i32
    %while3A_41 = arith.muli %while3A_40, %while3A_39 : i32
    %while3A_42 = arith.addi %while3A_36, %while3A_41 : i32
    %while3A_43 = arith.constant 1 : i32
    scf.for %while3A_50 = %while3A_36 to %while3A_42 step %while3A_43  : i32 {
      %mul3A_51 = arith.muli %while3A_50, %while3A : i32
      %add3A_52 = arith.addi %while3A_35, %mul3A_51 : i32
      %dma_start3A = arith.constant 0 : i32
      %dma_start3A_53 = tpu.memref_slice %arg6[%add3A_52, %dma_start3A] : memref<91x128xi32, #tpu.memory_space<vmem>> -> memref<1x128xi32, #tpu.memory_space<vmem>>
      %dma_start3A_54 = tpu.memref_squeeze %dma_start3A_53 : memref<1x128xi32, #tpu.memory_space<vmem>> -> memref<128xi32, #tpu.memory_space<vmem>>
      %dma_start3A_55 = arith.constant 0 : i32
      %dma_start3A_56 = arith.constant 0 : i32
      %dma_start3A_57 = tpu.memref_slice %arg2[%dma_start3A_55, %dma_start3A_56] : memref<10000x128xf32, #tpu.memory_space<hbm>> -> memref<10000x128xf32, #tpu.memory_space<hbm>>
      tpu.enqueue_indirect_dma source(%dma_start3A_57 : memref<10000x128xf32, #tpu.memory_space<hbm>>) target(%arg8 : memref<128x128xf32, #tpu.memory_space<vmem>>) offsets(%dma_start3A_54 : memref<128xi32, #tpu.memory_space<vmem>>) semaphore(%arg9 : memref<!tpu.dma_semaphore, #tpu.memory_space<semaphore_mem>>)
      %dma_wait3A = arith.constant 0 : i32
      %dma_wait3A_58 = tpu.memref_slice %arg6[%add3A_52, %dma_wait3A] : memref<91x128xi32, #tpu.memory_space<vmem>> -> memref<1x128xi32, #tpu.memory_space<vmem>>
      %dma_wait3A_59 = tpu.memref_squeeze %dma_wait3A_58 : memref<1x128xi32, #tpu.memory_space<vmem>> -> memref<128xi32, #tpu.memory_space<vmem>>
      %dma_wait3A_60 = arith.constant 0 : i32
      %dma_wait3A_61 = arith.constant 0 : i32
      %dma_wait3A_62 = tpu.memref_slice %arg2[%dma_wait3A_60, %dma_wait3A_61] : memref<10000x128xf32, #tpu.memory_space<hbm>> -> memref<10000x128xf32, #tpu.memory_space<hbm>>
      tpu.wait_indirect_dma semaphore(%arg9 : memref<!tpu.dma_semaphore, #tpu.memory_space<semaphore_mem>>) src(%dma_wait3A_62 : memref<10000x128xf32, #tpu.memory_space<hbm>>) dst(%arg8 : memref<128x128xf32, #tpu.memory_space<vmem>>)
      "tpu.region"() ({
        %run_scoped3A = tpu.sem_alloc : memref<!tpu.dma_semaphore, #tpu.memory_space<semaphore_mem>>
        %dma_start3A_63 = arith.constant 0 : i32
        %dma_start3A_64 = tpu.memref_slice %arg7[%add3A_52, %dma_start3A_63] : memref<91x128xi32, #tpu.memory_space<vmem>> -> memref<1x128xi32, #tpu.memory_space<vmem>>
        %dma_start3A_65 = tpu.memref_squeeze %dma_start3A_64 : memref<1x128xi32, #tpu.memory_space<vmem>> -> memref<128xi32, #tpu.memory_space<vmem>>
        %dma_start3A_66 = arith.constant 0 : i32
        %dma_start3A_67 = arith.constant 0 : i32
        %dma_start3A_68 = tpu.memref_slice %arg10[%dma_start3A_66, %dma_start3A_67] : memref<10240x128xf32, #tpu.memory_space<vmem_shared>> -> memref<10240x128xf32, #tpu.memory_space<vmem_shared>>
        tpu.enqueue_indirect_dma source(%arg8 : memref<128x128xf32, #tpu.memory_space<vmem>>) target(%dma_start3A_68 : memref<10240x128xf32, #tpu.memory_space<vmem_shared>>) offsets(%dma_start3A_65 : memref<128xi32, #tpu.memory_space<vmem>>) semaphore(%run_scoped3A : memref<!tpu.dma_semaphore, #tpu.memory_space<semaphore_mem>>) {add = true}
        %dma_wait3A_69 = arith.constant 0 : i32
        %dma_wait3A_70 = tpu.memref_slice %arg7[%add3A_52, %dma_wait3A_69] : memref<91x128xi32, #tpu.memory_space<vmem>> -> memref<1x128xi32, #tpu.memory_space<vmem>>
        %dma_wait3A_71 = tpu.memref_squeeze %dma_wait3A_70 : memref<1x128xi32, #tpu.memory_space<vmem>> -> memref<128xi32, #tpu.memory_space<vmem>>
        %dma_wait3A_72 = arith.constant 0 : i32
        %dma_wait3A_73 = arith.constant 0 : i32
        %dma_wait3A_74 = tpu.memref_slice %arg10[%dma_wait3A_72, %dma_wait3A_73] : memref<10240x128xf32, #tpu.memory_space<vmem_shared>> -> memref<10240x128xf32, #tpu.memory_space<vmem_shared>>
        tpu.wait_indirect_dma semaphore(%run_scoped3A : memref<!tpu.dma_semaphore, #tpu.memory_space<semaphore_mem>>) src(%arg8 : memref<128x128xf32, #tpu.memory_space<vmem>>) dst(%dma_wait3A_74 : memref<10240x128xf32, #tpu.memory_space<vmem_shared>>)
        tpu.yield
      }) : () -> ()
    }
    %while3A_44 = arith.constant 1 : i32
    scf.for %while3A_50 = %while3A_42 to %while3A_38 step %while3A_44  : i32 {
      %mul3A_51 = arith.muli %while3A_50, %while3A : i32
      %add3A_52 = arith.addi %while3A_35, %mul3A_51 : i32
      %dma_start3A = arith.constant 0 : i32
      %dma_start3A_53 = tpu.memref_slice %arg6[%add3A_52, %dma_start3A] : memref<91x128xi32, #tpu.memory_space<vmem>> -> memref<1x128xi32, #tpu.memory_space<vmem>>
      %dma_start3A_54 = tpu.memref_squeeze %dma_start3A_53 : memref<1x128xi32, #tpu.memory_space<vmem>> -> memref<128xi32, #tpu.memory_space<vmem>>
      %dma_start3A_55 = arith.constant 0 : i32
      %dma_start3A_56 = arith.constant 0 : i32
      %dma_start3A_57 = tpu.memref_slice %arg2[%dma_start3A_55, %dma_start3A_56] : memref<10000x128xf32, #tpu.memory_space<hbm>> -> memref<10000x128xf32, #tpu.memory_space<hbm>>
      tpu.enqueue_indirect_dma source(%dma_start3A_57 : memref<10000x128xf32, #tpu.memory_space<hbm>>) target(%arg8 : memref<128x128xf32, #tpu.memory_space<vmem>>) offsets(%dma_start3A_54 : memref<128xi32, #tpu.memory_space<vmem>>) semaphore(%arg9 : memref<!tpu.dma_semaphore, #tpu.memory_space<semaphore_mem>>)
      %dma_wait3A = arith.constant 0 : i32
      %dma_wait3A_58 = tpu.memref_slice %arg6[%add3A_52, %dma_wait3A] : memref<91x128xi32, #tpu.memory_space<vmem>> -> memref<1x128xi32, #tpu.memory_space<vmem>>
      %dma_wait3A_59 = tpu.memref_squeeze %dma_wait3A_58 : memref<1x128xi32, #tpu.memory_space<vmem>> -> memref<128xi32, #tpu.memory_space<vmem>>
      %dma_wait3A_60 = arith.constant 0 : i32
      %dma_wait3A_61 = arith.constant 0 : i32
      %dma_wait3A_62 = tpu.memref_slice %arg2[%dma_wait3A_60, %dma_wait3A_61] : memref<10000x128xf32, #tpu.memory_space<hbm>> -> memref<10000x128xf32, #tpu.memory_space<hbm>>
      tpu.wait_indirect_dma semaphore(%arg9 : memref<!tpu.dma_semaphore, #tpu.memory_space<semaphore_mem>>) src(%dma_wait3A_62 : memref<10000x128xf32, #tpu.memory_space<hbm>>) dst(%arg8 : memref<128x128xf32, #tpu.memory_space<vmem>>)
      "tpu.region"() ({
        %run_scoped3A = tpu.sem_alloc : memref<!tpu.dma_semaphore, #tpu.memory_space<semaphore_mem>>
        %dma_start3A_63 = arith.constant 0 : i32
        %dma_start3A_64 = tpu.memref_slice %arg7[%add3A_52, %dma_start3A_63] : memref<91x128xi32, #tpu.memory_space<vmem>> -> memref<1x128xi32, #tpu.memory_space<vmem>>
        %dma_start3A_65 = tpu.memref_squeeze %dma_start3A_64 : memref<1x128xi32, #tpu.memory_space<vmem>> -> memref<128xi32, #tpu.memory_space<vmem>>
        %dma_start3A_66 = arith.constant 0 : i32
        %dma_start3A_67 = arith.constant 0 : i32
        %dma_start3A_68 = tpu.memref_slice %arg10[%dma_start3A_66, %dma_start3A_67] : memref<10240x128xf32, #tpu.memory_space<vmem_shared>> -> memref<10240x128xf32, #tpu.memory_space<vmem_shared>>
        tpu.enqueue_indirect_dma source(%arg8 : memref<128x128xf32, #tpu.memory_space<vmem>>) target(%dma_start3A_68 : memref<10240x128xf32, #tpu.memory_space<vmem_shared>>) offsets(%dma_start3A_65 : memref<128xi32, #tpu.memory_space<vmem>>) semaphore(%run_scoped3A : memref<!tpu.dma_semaphore, #tpu.memory_space<semaphore_mem>>) {add = true}
        %dma_wait3A_69 = arith.constant 0 : i32
        %dma_wait3A_70 = tpu.memref_slice %arg7[%add3A_52, %dma_wait3A_69] : memref<91x128xi32, #tpu.memory_space<vmem>> -> memref<1x128xi32, #tpu.memory_space<vmem>>
        %dma_wait3A_71 = tpu.memref_squeeze %dma_wait3A_70 : memref<1x128xi32, #tpu.memory_space<vmem>> -> memref<128xi32, #tpu.memory_space<vmem>>
        %dma_wait3A_72 = arith.constant 0 : i32
        %dma_wait3A_73 = arith.constant 0 : i32
        %dma_wait3A_74 = tpu.memref_slice %arg10[%dma_wait3A_72, %dma_wait3A_73] : memref<10240x128xf32, #tpu.memory_space<vmem_shared>> -> memref<10240x128xf32, #tpu.memory_space<vmem_shared>>
        tpu.wait_indirect_dma semaphore(%run_scoped3A : memref<!tpu.dma_semaphore, #tpu.memory_space<semaphore_mem>>) src(%arg8 : memref<128x128xf32, #tpu.memory_space<vmem>>) dst(%dma_wait3A_74 : memref<10240x128xf32, #tpu.memory_space<vmem_shared>>)
        tpu.yield
      }) : () -> ()
    }
    %barrier3A_45 = arith.constant 0 : index
    tpu.barrier barrier_id(%barrier3A_45)
    %mul3A_46 = arith.constant 640 : i32
    %mul3A_47 = arith.muli %arg1, %mul3A_46 : i32
    %mul3A_48 = arith.constant 640 : i32
    %mul3A_49 = arith.muli %arg1, %mul3A_48 : i32
    "tpu.region"() ({
      %run_scoped3A = tpu.sem_alloc : memref<!tpu.dma_semaphore, #tpu.memory_space<semaphore_mem>>
      %dma_start3A = arith.constant 0 : i32
      %dma_start3A_50 = tpu.memref_slice %arg5[%arg0, %mul3A_49, %dma_start3A] : memref<2x10240x128xf32, #tpu.memory_space<hbm>> -> memref<1x640x128xf32, #tpu.memory_space<hbm>>
      %dma_start3A_51 = tpu.memref_squeeze %dma_start3A_50 : memref<1x640x128xf32, #tpu.memory_space<hbm>> -> memref<640x128xf32, #tpu.memory_space<hbm>>
      %dma_start3A_52 = arith.constant 0 : i32
      %dma_start3A_53 = tpu.memref_slice %arg10[%mul3A_47, %dma_start3A_52] : memref<10240x128xf32, #tpu.memory_space<vmem_shared>> -> memref<640x128xf32, #tpu.memory_space<vmem_shared>>
      tpu.enqueue_dma source(%dma_start3A_53 : memref<640x128xf32, #tpu.memory_space<vmem_shared>>) target(%dma_start3A_51 : memref<640x128xf32, #tpu.memory_space<hbm>>) target_semaphore(%run_scoped3A : memref<!tpu.dma_semaphore, #tpu.memory_space<semaphore_mem>>)
      %dma_wait3A = arith.constant 0 : i32
      %dma_wait3A_54 = tpu.memref_slice %arg5[%arg0, %mul3A_49, %dma_wait3A] : memref<2x10240x128xf32, #tpu.memory_space<hbm>> -> memref<1x640x128xf32, #tpu.memory_space<hbm>>
      %dma_wait3A_55 = tpu.memref_squeeze %dma_wait3A_54 : memref<1x640x128xf32, #tpu.memory_space<hbm>> -> memref<640x128xf32, #tpu.memory_space<hbm>>
      %dma_wait3A_56 = arith.constant 0 : i32
      %dma_wait3A_57 = tpu.memref_slice %arg10[%mul3A_47, %dma_wait3A_56] : memref<10240x128xf32, #tpu.memory_space<vmem_shared>> -> memref<640x128xf32, #tpu.memory_space<vmem_shared>>
      tpu.wait_dma2 semaphore(%run_scoped3A : memref<!tpu.dma_semaphore, #tpu.memory_space<semaphore_mem>>) src(%dma_wait3A_57 : memref<640x128xf32, #tpu.memory_space<vmem_shared>>) dst(%dma_wait3A_55 : memref<640x128xf32, #tpu.memory_space<hbm>>)
      tpu.yield
    }) : () -> ()
    return
  }
}

#map = affine_map<(d0, d1) -> (0, 0)>
#map1 = affine_map<(d0, d1) -> (0, 0, 0)>
module attributes {stable_mosaic.version = 14 : i64} {
  func.func @segsum(%arg0: i32, %arg1: i32, %arg2: memref<10000x128xf32, #tpu.memory_space<hbm>>, %arg3: memref<32x91x128xi32, #tpu.memory_space<hbm>>, %arg4: memref<32x91x128xi32, #tpu.memory_space<hbm>>, %arg5: memref<2x10240x128xf32, #tpu.memory_space<hbm>>, %arg6: memref<91x128xi32, #tpu.memory_space<vmem>>, %arg7: memref<91x128xi32, #tpu.memory_space<vmem>>, %arg8: memref<128x128xf32, #tpu.memory_space<vmem>>, %arg9: memref<!tpu.dma_semaphore, #tpu.memory_space<semaphore_mem>>, %arg10: memref<10240x128xf32, #tpu.memory_space<vmem_shared>>) attributes {dimension_semantics = [#tpu.dimension_semantics<core_parallel>, #tpu.dimension_semantics<subcore_parallel>], iteration_bounds = array<i64: 2, 16>, scalar_prefetch = 0 : i64, scratch_operands = 5 : i64, tpu.core_type = #tpu.core_type<sc_vector_subcore>, window_params = [{transform_indices = #map}, {transform_indices = #map1}, {transform_indices = #map1}, {transform_indices = #map1}]} {
    %mul3A = arith.constant 2 : i32
    %mul3A_0 = arith.muli %arg1, %mul3A : i32
    %add3A = arith.addi %mul3A_0, %arg0 : i32
    %broadcast_in_dim3A = arith.constant 0.000000e+00 : f32
    %broadcast_in_dim3A_1 = vector.broadcast %broadcast_in_dim3A : f32 to vector<16xf32>
    %scan3A = arith.constant 0 : i32
    %scan3A_2 = arith.constant 128 : i32
    %scan3A_3 = arith.addi %scan3A, %scan3A_2 : i32
    %scan3A_4 = arith.constant 1 : i32
    scf.for %scan3A_50 = %scan3A to %scan3A_3 step %scan3A_4  : i32 {
      %mul3A_51 = arith.constant 1 : i32
      %mul3A_52 = arith.muli %scan3A_50, %mul3A_51 : i32
      %add3A_53 = arith.constant 0 : i32
      %add3A_54 = arith.addi %add3A_53, %mul3A_52 : i32
      %swap3A = arith.index_cast %add3A_54 : i32 to index
      %swap3A_55 = arith.constant 0 : index
      %swap3A_56 = tpu.vector_load %arg8[%swap3A, %swap3A_55] {strides = array<i32>} : memref<128x128xf32, #tpu.memory_space<vmem>>, vector<1x16xf32>,
      %swap3A_57 = vector.shape_cast %swap3A_56 : vector<1x16xf32> to vector<16xf32>
      %swap3A_58 = vector.shape_cast %broadcast_in_dim3A_1 : vector<16xf32> to vector<1x16xf32>
      tpu.vector_store %arg8[%swap3A, %swap3A_55], %swap3A_58 {strides = array<i32>} : memref<128x128xf32, #tpu.memory_space<vmem>>, vector<1x16xf32>,
      %swap3A_59 = arith.index_cast %add3A_54 : i32 to index
      %swap3A_60 = arith.constant 16 : index
      %swap3A_61 = tpu.vector_load %arg8[%swap3A_59, %swap3A_60] {strides = array<i32>} : memref<128x128xf32, #tpu.memory_space<vmem>>, vector<1x16xf32>,
      %swap3A_62 = vector.shape_cast %swap3A_61 : vector<1x16xf32> to vector<16xf32>
      %swap3A_63 = vector.shape_cast %broadcast_in_dim3A_1 : vector<16xf32> to vector<1x16xf32>
      tpu.vector_store %arg8[%swap3A_59, %swap3A_60], %swap3A_63 {strides = array<i32>} : memref<128x128xf32, #tpu.memory_space<vmem>>, vector<1x16xf32>,
      %swap3A_64 = arith.index_cast %add3A_54 : i32 to index
      %swap3A_65 = arith.constant 32 : index
      %swap3A_66 = tpu.vector_load %arg8[%swap3A_64, %swap3A_65] {strides = array<i32>} : memref<128x128xf32, #tpu.memory_space<vmem>>, vector<1x16xf32>,
      %swap3A_67 = vector.shape_cast %swap3A_66 : vector<1x16xf32> to vector<16xf32>
      %swap3A_68 = vector.shape_cast %broadcast_in_dim3A_1 : vector<16xf32> to vector<1x16xf32>
      tpu.vector_store %arg8[%swap3A_64, %swap3A_65], %swap3A_68 {strides = array<i32>} : memref<128x128xf32, #tpu.memory_space<vmem>>, vector<1x16xf32>,
      %swap3A_69 = arith.index_cast %add3A_54 : i32 to index
      %swap3A_70 = arith.constant 48 : index
      %swap3A_71 = tpu.vector_load %arg8[%swap3A_69, %swap3A_70] {strides = array<i32>} : memref<128x128xf32, #tpu.memory_space<vmem>>, vector<1x16xf32>,
      %swap3A_72 = vector.shape_cast %swap3A_71 : vector<1x16xf32> to vector<16xf32>
      %swap3A_73 = vector.shape_cast %broadcast_in_dim3A_1 : vector<16xf32> to vector<1x16xf32>
      tpu.vector_store %arg8[%swap3A_69, %swap3A_70], %swap3A_73 {strides = array<i32>} : memref<128x128xf32, #tpu.memory_space<vmem>>, vector<1x16xf32>,
      %swap3A_74 = arith.index_cast %add3A_54 : i32 to index
      %swap3A_75 = arith.constant 64 : index
      %swap3A_76 = tpu.vector_load %arg8[%swap3A_74, %swap3A_75] {strides = array<i32>} : memref<128x128xf32, #tpu.memory_space<vmem>>, vector<1x16xf32>,
      %swap3A_77 = vector.shape_cast %swap3A_76 : vector<1x16xf32> to vector<16xf32>
      %swap3A_78 = vector.shape_cast %broadcast_in_dim3A_1 : vector<16xf32> to vector<1x16xf32>
      tpu.vector_store %arg8[%swap3A_74, %swap3A_75], %swap3A_78 {strides = array<i32>} : memref<128x128xf32, #tpu.memory_space<vmem>>, vector<1x16xf32>,
      %swap3A_79 = arith.index_cast %add3A_54 : i32 to index
      %swap3A_80 = arith.constant 80 : index
      %swap3A_81 = tpu.vector_load %arg8[%swap3A_79, %swap3A_80] {strides = array<i32>} : memref<128x128xf32, #tpu.memory_space<vmem>>, vector<1x16xf32>,
      %swap3A_82 = vector.shape_cast %swap3A_81 : vector<1x16xf32> to vector<16xf32>
      %swap3A_83 = vector.shape_cast %broadcast_in_dim3A_1 : vector<16xf32> to vector<1x16xf32>
      tpu.vector_store %arg8[%swap3A_79, %swap3A_80], %swap3A_83 {strides = array<i32>} : memref<128x128xf32, #tpu.memory_space<vmem>>, vector<1x16xf32>,
      %swap3A_84 = arith.index_cast %add3A_54 : i32 to index
      %swap3A_85 = arith.constant 96 : index
      %swap3A_86 = tpu.vector_load %arg8[%swap3A_84, %swap3A_85] {strides = array<i32>} : memref<128x128xf32, #tpu.memory_space<vmem>>, vector<1x16xf32>,
      %swap3A_87 = vector.shape_cast %swap3A_86 : vector<1x16xf32> to vector<16xf32>
      %swap3A_88 = vector.shape_cast %broadcast_in_dim3A_1 : vector<16xf32> to vector<1x16xf32>
      tpu.vector_store %arg8[%swap3A_84, %swap3A_85], %swap3A_88 {strides = array<i32>} : memref<128x128xf32, #tpu.memory_space<vmem>>, vector<1x16xf32>,
      %swap3A_89 = arith.index_cast %add3A_54 : i32 to index
      %swap3A_90 = arith.constant 112 : index
      %swap3A_91 = tpu.vector_load %arg8[%swap3A_89, %swap3A_90] {strides = array<i32>} : memref<128x128xf32, #tpu.memory_space<vmem>>, vector<1x16xf32>,
      %swap3A_92 = vector.shape_cast %swap3A_91 : vector<1x16xf32> to vector<16xf32>
      %swap3A_93 = vector.shape_cast %broadcast_in_dim3A_1 : vector<16xf32> to vector<1x16xf32>
      tpu.vector_store %arg8[%swap3A_89, %swap3A_90], %swap3A_93 {strides = array<i32>} : memref<128x128xf32, #tpu.memory_space<vmem>>, vector<1x16xf32>,
    }
    %scan3A_5 = arith.constant 128 : i32
    %mul3A_6 = arith.constant 640 : i32
    %mul3A_7 = arith.muli %arg1, %mul3A_6 : i32
    %add3A_8 = arith.constant 0 : i32
    %add3A_9 = arith.addi %mul3A_7, %add3A_8 : i32
    "tpu.region"() ({
      %run_scoped3A = tpu.sem_alloc : memref<!tpu.dma_semaphore, #tpu.memory_space<semaphore_mem>>
      %dma_start3A = arith.constant 0 : i32
      %dma_start3A_50 = tpu.memref_slice %arg10[%add3A_9, %dma_start3A] : memref<10240x128xf32, #tpu.memory_space<vmem_shared>> -> memref<128x128xf32, #tpu.memory_space<vmem_shared>>
      %dma_start3A_51 = arith.constant 0 : i32
      %dma_start3A_52 = tpu.memref_slice %arg10[%add3A_9, %dma_start3A_51] : memref<10240x128xf32, #tpu.memory_space<vmem_shared>> -> memref<128x128xf32, #tpu.memory_space<vmem_shared>>
      tpu.enqueue_dma source(%arg8 : memref<128x128xf32, #tpu.memory_space<vmem>>) target(%dma_start3A_52 : memref<128x128xf32, #tpu.memory_space<vmem_shared>>) target_semaphore(%run_scoped3A : memref<!tpu.dma_semaphore, #tpu.memory_space<semaphore_mem>>)
      %dma_wait3A = arith.constant 0 : i32
      %dma_wait3A_53 = tpu.memref_slice %arg10[%add3A_9, %dma_wait3A] : memref<10240x128xf32, #tpu.memory_space<vmem_shared>> -> memref<128x128xf32, #tpu.memory_space<vmem_shared>>
      %dma_wait3A_54 = arith.constant 0 : i32
      %dma_wait3A_55 = tpu.memref_slice %arg10[%add3A_9, %dma_wait3A_54] : memref<10240x128xf32, #tpu.memory_space<vmem_shared>> -> memref<128x128xf32, #tpu.memory_space<vmem_shared>>
      tpu.wait_dma2 semaphore(%run_scoped3A : memref<!tpu.dma_semaphore, #tpu.memory_space<semaphore_mem>>) src(%arg8 : memref<128x128xf32, #tpu.memory_space<vmem>>) dst(%dma_wait3A_55 : memref<128x128xf32, #tpu.memory_space<vmem_shared>>)
      tpu.yield
    }) : () -> ()
    %mul3A_10 = arith.constant 640 : i32
    %mul3A_11 = arith.muli %arg1, %mul3A_10 : i32
    %add3A_12 = arith.constant 128 : i32
    %add3A_13 = arith.addi %mul3A_11, %add3A_12 : i32
    "tpu.region"() ({
      %run_scoped3A = tpu.sem_alloc : memref<!tpu.dma_semaphore, #tpu.memory_space<semaphore_mem>>
      %dma_start3A = arith.constant 0 : i32
      %dma_start3A_50 = tpu.memref_slice %arg10[%add3A_13, %dma_start3A] : memref<10240x128xf32, #tpu.memory_space<vmem_shared>> -> memref<128x128xf32, #tpu.memory_space<vmem_shared>>
      %dma_start3A_51 = arith.constant 0 : i32
      %dma_start3A_52 = tpu.memref_slice %arg10[%add3A_13, %dma_start3A_51] : memref<10240x128xf32, #tpu.memory_space<vmem_shared>> -> memref<128x128xf32, #tpu.memory_space<vmem_shared>>
      tpu.enqueue_dma source(%arg8 : memref<128x128xf32, #tpu.memory_space<vmem>>) target(%dma_start3A_52 : memref<128x128xf32, #tpu.memory_space<vmem_shared>>) target_semaphore(%run_scoped3A : memref<!tpu.dma_semaphore, #tpu.memory_space<semaphore_mem>>)
      %dma_wait3A = arith.constant 0 : i32
      %dma_wait3A_53 = tpu.memref_slice %arg10[%add3A_13, %dma_wait3A] : memref<10240x128xf32, #tpu.memory_space<vmem_shared>> -> memref<128x128xf32, #tpu.memory_space<vmem_shared>>
      %dma_wait3A_54 = arith.constant 0 : i32
      %dma_wait3A_55 = tpu.memref_slice %arg10[%add3A_13, %dma_wait3A_54] : memref<10240x128xf32, #tpu.memory_space<vmem_shared>> -> memref<128x128xf32, #tpu.memory_space<vmem_shared>>
      tpu.wait_dma2 semaphore(%run_scoped3A : memref<!tpu.dma_semaphore, #tpu.memory_space<semaphore_mem>>) src(%arg8 : memref<128x128xf32, #tpu.memory_space<vmem>>) dst(%dma_wait3A_55 : memref<128x128xf32, #tpu.memory_space<vmem_shared>>)
      tpu.yield
    }) : () -> ()
    %mul3A_14 = arith.constant 640 : i32
    %mul3A_15 = arith.muli %arg1, %mul3A_14 : i32
    %add3A_16 = arith.constant 256 : i32
    %add3A_17 = arith.addi %mul3A_15, %add3A_16 : i32
    "tpu.region"() ({
      %run_scoped3A = tpu.sem_alloc : memref<!tpu.dma_semaphore, #tpu.memory_space<semaphore_mem>>
      %dma_start3A = arith.constant 0 : i32
      %dma_start3A_50 = tpu.memref_slice %arg10[%add3A_17, %dma_start3A] : memref<10240x128xf32, #tpu.memory_space<vmem_shared>> -> memref<128x128xf32, #tpu.memory_space<vmem_shared>>
      %dma_start3A_51 = arith.constant 0 : i32
      %dma_start3A_52 = tpu.memref_slice %arg10[%add3A_17, %dma_start3A_51] : memref<10240x128xf32, #tpu.memory_space<vmem_shared>> -> memref<128x128xf32, #tpu.memory_space<vmem_shared>>
      tpu.enqueue_dma source(%arg8 : memref<128x128xf32, #tpu.memory_space<vmem>>) target(%dma_start3A_52 : memref<128x128xf32, #tpu.memory_space<vmem_shared>>) target_semaphore(%run_scoped3A : memref<!tpu.dma_semaphore, #tpu.memory_space<semaphore_mem>>)
      %dma_wait3A = arith.constant 0 : i32
      %dma_wait3A_53 = tpu.memref_slice %arg10[%add3A_17, %dma_wait3A] : memref<10240x128xf32, #tpu.memory_space<vmem_shared>> -> memref<128x128xf32, #tpu.memory_space<vmem_shared>>
      %dma_wait3A_54 = arith.constant 0 : i32
      %dma_wait3A_55 = tpu.memref_slice %arg10[%add3A_17, %dma_wait3A_54] : memref<10240x128xf32, #tpu.memory_space<vmem_shared>> -> memref<128x128xf32, #tpu.memory_space<vmem_shared>>
      tpu.wait_dma2 semaphore(%run_scoped3A : memref<!tpu.dma_semaphore, #tpu.memory_space<semaphore_mem>>) src(%arg8 : memref<128x128xf32, #tpu.memory_space<vmem>>) dst(%dma_wait3A_55 : memref<128x128xf32, #tpu.memory_space<vmem_shared>>)
      tpu.yield
    }) : () -> ()
    %mul3A_18 = arith.constant 640 : i32
    %mul3A_19 = arith.muli %arg1, %mul3A_18 : i32
    %add3A_20 = arith.constant 384 : i32
    %add3A_21 = arith.addi %mul3A_19, %add3A_20 : i32
    "tpu.region"() ({
      %run_scoped3A = tpu.sem_alloc : memref<!tpu.dma_semaphore, #tpu.memory_space<semaphore_mem>>
      %dma_start3A = arith.constant 0 : i32
      %dma_start3A_50 = tpu.memref_slice %arg10[%add3A_21, %dma_start3A] : memref<10240x128xf32, #tpu.memory_space<vmem_shared>> -> memref<128x128xf32, #tpu.memory_space<vmem_shared>>
      %dma_start3A_51 = arith.constant 0 : i32
      %dma_start3A_52 = tpu.memref_slice %arg10[%add3A_21, %dma_start3A_51] : memref<10240x128xf32, #tpu.memory_space<vmem_shared>> -> memref<128x128xf32, #tpu.memory_space<vmem_shared>>
      tpu.enqueue_dma source(%arg8 : memref<128x128xf32, #tpu.memory_space<vmem>>) target(%dma_start3A_52 : memref<128x128xf32, #tpu.memory_space<vmem_shared>>) target_semaphore(%run_scoped3A : memref<!tpu.dma_semaphore, #tpu.memory_space<semaphore_mem>>)
      %dma_wait3A = arith.constant 0 : i32
      %dma_wait3A_53 = tpu.memref_slice %arg10[%add3A_21, %dma_wait3A] : memref<10240x128xf32, #tpu.memory_space<vmem_shared>> -> memref<128x128xf32, #tpu.memory_space<vmem_shared>>
      %dma_wait3A_54 = arith.constant 0 : i32
      %dma_wait3A_55 = tpu.memref_slice %arg10[%add3A_21, %dma_wait3A_54] : memref<10240x128xf32, #tpu.memory_space<vmem_shared>> -> memref<128x128xf32, #tpu.memory_space<vmem_shared>>
      tpu.wait_dma2 semaphore(%run_scoped3A : memref<!tpu.dma_semaphore, #tpu.memory_space<semaphore_mem>>) src(%arg8 : memref<128x128xf32, #tpu.memory_space<vmem>>) dst(%dma_wait3A_55 : memref<128x128xf32, #tpu.memory_space<vmem_shared>>)
      tpu.yield
    }) : () -> ()
    %mul3A_22 = arith.constant 640 : i32
    %mul3A_23 = arith.muli %arg1, %mul3A_22 : i32
    %add3A_24 = arith.constant 512 : i32
    %add3A_25 = arith.addi %mul3A_23, %add3A_24 : i32
    "tpu.region"() ({
      %run_scoped3A = tpu.sem_alloc : memref<!tpu.dma_semaphore, #tpu.memory_space<semaphore_mem>>
      %dma_start3A = arith.constant 0 : i32
      %dma_start3A_50 = tpu.memref_slice %arg10[%add3A_25, %dma_start3A] : memref<10240x128xf32, #tpu.memory_space<vmem_shared>> -> memref<128x128xf32, #tpu.memory_space<vmem_shared>>
      %dma_start3A_51 = arith.constant 0 : i32
      %dma_start3A_52 = tpu.memref_slice %arg10[%add3A_25, %dma_start3A_51] : memref<10240x128xf32, #tpu.memory_space<vmem_shared>> -> memref<128x128xf32, #tpu.memory_space<vmem_shared>>
      tpu.enqueue_dma source(%arg8 : memref<128x128xf32, #tpu.memory_space<vmem>>) target(%dma_start3A_52 : memref<128x128xf32, #tpu.memory_space<vmem_shared>>) target_semaphore(%run_scoped3A : memref<!tpu.dma_semaphore, #tpu.memory_space<semaphore_mem>>)
      %dma_wait3A = arith.constant 0 : i32
      %dma_wait3A_53 = tpu.memref_slice %arg10[%add3A_25, %dma_wait3A] : memref<10240x128xf32, #tpu.memory_space<vmem_shared>> -> memref<128x128xf32, #tpu.memory_space<vmem_shared>>
      %dma_wait3A_54 = arith.constant 0 : i32
      %dma_wait3A_55 = tpu.memref_slice %arg10[%add3A_25, %dma_wait3A_54] : memref<10240x128xf32, #tpu.memory_space<vmem_shared>> -> memref<128x128xf32, #tpu.memory_space<vmem_shared>>
      tpu.wait_dma2 semaphore(%run_scoped3A : memref<!tpu.dma_semaphore, #tpu.memory_space<semaphore_mem>>) src(%arg8 : memref<128x128xf32, #tpu.memory_space<vmem>>) dst(%dma_wait3A_55 : memref<128x128xf32, #tpu.memory_space<vmem_shared>>)
      tpu.yield
    }) : () -> ()
    "tpu.region"() ({
      %run_scoped3A = tpu.sem_alloc : memref<!tpu.dma_semaphore, #tpu.memory_space<semaphore_mem>>
      %dma_start3A = arith.constant 0 : i32
      %dma_start3A_50 = arith.constant 0 : i32
      %dma_start3A_51 = tpu.memref_slice %arg3[%add3A, %dma_start3A, %dma_start3A_50] : memref<32x91x128xi32, #tpu.memory_space<hbm>> -> memref<1x91x128xi32, #tpu.memory_space<hbm>>
      %dma_start3A_52 = tpu.memref_squeeze %dma_start3A_51 : memref<1x91x128xi32, #tpu.memory_space<hbm>> -> memref<91x128xi32, #tpu.memory_space<hbm>>
      %dma_start3A_53 = arith.constant 0 : i32
      %dma_start3A_54 = arith.constant 0 : i32
      %dma_start3A_55 = tpu.memref_slice %arg3[%add3A, %dma_start3A_53, %dma_start3A_54] : memref<32x91x128xi32, #tpu.memory_space<hbm>> -> memref<1x91x128xi32, #tpu.memory_space<hbm>>
      %dma_start3A_56 = tpu.memref_squeeze %dma_start3A_55 : memref<1x91x128xi32, #tpu.memory_space<hbm>> -> memref<91x128xi32, #tpu.memory_space<hbm>>
      tpu.enqueue_dma source(%dma_start3A_56 : memref<91x128xi32, #tpu.memory_space<hbm>>) target(%arg6 : memref<91x128xi32, #tpu.memory_space<vmem>>) target_semaphore(%run_scoped3A : memref<!tpu.dma_semaphore, #tpu.memory_space<semaphore_mem>>)
      %dma_wait3A = arith.constant 0 : i32
      %dma_wait3A_57 = arith.constant 0 : i32
      %dma_wait3A_58 = tpu.memref_slice %arg3[%add3A, %dma_wait3A, %dma_wait3A_57] : memref<32x91x128xi32, #tpu.memory_space<hbm>> -> memref<1x91x128xi32, #tpu.memory_space<hbm>>
      %dma_wait3A_59 = tpu.memref_squeeze %dma_wait3A_58 : memref<1x91x128xi32, #tpu.memory_space<hbm>> -> memref<91x128xi32, #tpu.memory_space<hbm>>
      %dma_wait3A_60 = arith.constant 0 : i32
      %dma_wait3A_61 = arith.constant 0 : i32
      %dma_wait3A_62 = tpu.memref_slice %arg3[%add3A, %dma_wait3A_60, %dma_wait3A_61] : memref<32x91x128xi32, #tpu.memory_space<hbm>> -> memref<1x91x128xi32, #tpu.memory_space<hbm>>
      %dma_wait3A_63 = tpu.memref_squeeze %dma_wait3A_62 : memref<1x91x128xi32, #tpu.memory_space<hbm>> -> memref<91x128xi32, #tpu.memory_space<hbm>>
      tpu.wait_dma2 semaphore(%run_scoped3A : memref<!tpu.dma_semaphore, #tpu.memory_space<semaphore_mem>>) src(%dma_wait3A_63 : memref<91x128xi32, #tpu.memory_space<hbm>>) dst(%arg6 : memref<91x128xi32, #tpu.memory_space<vmem>>)
      tpu.yield
    }) : () -> ()
    "tpu.region"() ({
      %run_scoped3A = tpu.sem_alloc : memref<!tpu.dma_semaphore, #tpu.memory_space<semaphore_mem>>
      %dma_start3A = arith.constant 0 : i32
      %dma_start3A_50 = arith.constant 0 : i32
      %dma_start3A_51 = tpu.memref_slice %arg4[%add3A, %dma_start3A, %dma_start3A_50] : memref<32x91x128xi32, #tpu.memory_space<hbm>> -> memref<1x91x128xi32, #tpu.memory_space<hbm>>
      %dma_start3A_52 = tpu.memref_squeeze %dma_start3A_51 : memref<1x91x128xi32, #tpu.memory_space<hbm>> -> memref<91x128xi32, #tpu.memory_space<hbm>>
      %dma_start3A_53 = arith.constant 0 : i32
      %dma_start3A_54 = arith.constant 0 : i32
      %dma_start3A_55 = tpu.memref_slice %arg4[%add3A, %dma_start3A_53, %dma_start3A_54] : memref<32x91x128xi32, #tpu.memory_space<hbm>> -> memref<1x91x128xi32, #tpu.memory_space<hbm>>
      %dma_start3A_56 = tpu.memref_squeeze %dma_start3A_55 : memref<1x91x128xi32, #tpu.memory_space<hbm>> -> memref<91x128xi32, #tpu.memory_space<hbm>>
      tpu.enqueue_dma source(%dma_start3A_56 : memref<91x128xi32, #tpu.memory_space<hbm>>) target(%arg7 : memref<91x128xi32, #tpu.memory_space<vmem>>) target_semaphore(%run_scoped3A : memref<!tpu.dma_semaphore, #tpu.memory_space<semaphore_mem>>)
      %dma_wait3A = arith.constant 0 : i32
      %dma_wait3A_57 = arith.constant 0 : i32
      %dma_wait3A_58 = tpu.memref_slice %arg4[%add3A, %dma_wait3A, %dma_wait3A_57] : memref<32x91x128xi32, #tpu.memory_space<hbm>> -> memref<1x91x128xi32, #tpu.memory_space<hbm>>
      %dma_wait3A_59 = tpu.memref_squeeze %dma_wait3A_58 : memref<1x91x128xi32, #tpu.memory_space<hbm>> -> memref<91x128xi32, #tpu.memory_space<hbm>>
      %dma_wait3A_60 = arith.constant 0 : i32
      %dma_wait3A_61 = arith.constant 0 : i32
      %dma_wait3A_62 = tpu.memref_slice %arg4[%add3A, %dma_wait3A_60, %dma_wait3A_61] : memref<32x91x128xi32, #tpu.memory_space<hbm>> -> memref<1x91x128xi32, #tpu.memory_space<hbm>>
      %dma_wait3A_63 = tpu.memref_squeeze %dma_wait3A_62 : memref<1x91x128xi32, #tpu.memory_space<hbm>> -> memref<91x128xi32, #tpu.memory_space<hbm>>
      tpu.wait_dma2 semaphore(%run_scoped3A : memref<!tpu.dma_semaphore, #tpu.memory_space<semaphore_mem>>) src(%dma_wait3A_63 : memref<91x128xi32, #tpu.memory_space<hbm>>) dst(%arg7 : memref<91x128xi32, #tpu.memory_space<vmem>>)
      tpu.yield
    }) : () -> ()
    %barrier3A = arith.constant 0 : index
    tpu.barrier barrier_id(%barrier3A)
    %eq3A = arith.constant 0 : i32
    %eq3A_26 = arith.cmpi eq, %arg0, %eq3A : i32
    %select_n3A = arith.constant 66 : i32
    %select_n3A_27 = arith.constant 91 : i32
    %select_n3A_28 = arith.select %eq3A_26, %select_n3A_27, %select_n3A : i32
    %sub3A = arith.constant 0 : i32
    %sub3A_29 = arith.subi %select_n3A_28, %sub3A : i32
    %sub3A_30 = arith.constant 1 : i32
    %sub3A_31 = arith.constant 1 : i32
    %sub3A_32 = arith.subi %sub3A_30, %sub3A_31 : i32
    %add3A_33 = arith.addi %sub3A_29, %sub3A_32 : i32
    %div3A = arith.constant 1 : i32
    %div3A_34 = arith.divsi %add3A_33, %div3A : i32
    %while3A = arith.constant 1 : i32
    %while3A_35 = arith.constant 0 : i32
    %while3A_36 = arith.constant 0 : i32
    %while3A_37 = arith.subi %div3A_34, %while3A_36 : i32
    %while3A_38 = arith.addi %while3A_36, %while3A_37 : i32
    %while3A_39 = arith.constant 1 : i32
    %while3A_40 = arith.divsi %while3A_37, %while3A_39 : i32
    %while3A_41 = arith.muli %while3A_40, %while3A_39 : i32
    %while3A_42 = arith.addi %while3A_36, %while3A_41 : i32
    %while3A_43 = arith.constant 1 : i32
    scf.for %while3A_50 = %while3A_36 to %while3A_42 step %while3A_43  : i32 {
      %mul3A_51 = arith.muli %while3A_50, %while3A : i32
      %add3A_52 = arith.addi %while3A_35, %mul3A_51 : i32
      %dma_start3A = arith.constant 0 : i32
      %dma_start3A_53 = tpu.memref_slice %arg6[%add3A_52, %dma_start3A] : memref<91x128xi32, #tpu.memory_space<vmem>> -> memref<1x128xi32, #tpu.memory_space<vmem>>
      %dma_start3A_54 = tpu.memref_squeeze %dma_start3A_53 : memref<1x128xi32, #tpu.memory_space<vmem>> -> memref<128xi32, #tpu.memory_space<vmem>>
      %dma_start3A_55 = arith.constant 0 : i32
      %dma_start3A_56 = arith.constant 0 : i32
      %dma_start3A_57 = tpu.memref_slice %arg2[%dma_start3A_55, %dma_start3A_56] : memref<10000x128xf32, #tpu.memory_space<hbm>> -> memref<10000x128xf32, #tpu.memory_space<hbm>>
      tpu.enqueue_indirect_dma source(%dma_start3A_57 : memref<10000x128xf32, #tpu.memory_space<hbm>>) target(%arg8 : memref<128x128xf32, #tpu.memory_space<vmem>>) offsets(%dma_start3A_54 : memref<128xi32, #tpu.memory_space<vmem>>) semaphore(%arg9 : memref<!tpu.dma_semaphore, #tpu.memory_space<semaphore_mem>>)
      %dma_wait3A = arith.constant 0 : i32
      %dma_wait3A_58 = tpu.memref_slice %arg6[%add3A_52, %dma_wait3A] : memref<91x128xi32, #tpu.memory_space<vmem>> -> memref<1x128xi32, #tpu.memory_space<vmem>>
      %dma_wait3A_59 = tpu.memref_squeeze %dma_wait3A_58 : memref<1x128xi32, #tpu.memory_space<vmem>> -> memref<128xi32, #tpu.memory_space<vmem>>
      %dma_wait3A_60 = arith.constant 0 : i32
      %dma_wait3A_61 = arith.constant 0 : i32
      %dma_wait3A_62 = tpu.memref_slice %arg2[%dma_wait3A_60, %dma_wait3A_61] : memref<10000x128xf32, #tpu.memory_space<hbm>> -> memref<10000x128xf32, #tpu.memory_space<hbm>>
      tpu.wait_indirect_dma semaphore(%arg9 : memref<!tpu.dma_semaphore, #tpu.memory_space<semaphore_mem>>) src(%dma_wait3A_62 : memref<10000x128xf32, #tpu.memory_space<hbm>>) dst(%arg8 : memref<128x128xf32, #tpu.memory_space<vmem>>)
      "tpu.region"() ({
        %run_scoped3A = tpu.sem_alloc : memref<!tpu.dma_semaphore, #tpu.memory_space<semaphore_mem>>
        %dma_start3A_63 = arith.constant 0 : i32
        %dma_start3A_64 = tpu.memref_slice %arg7[%add3A_52, %dma_start3A_63] : memref<91x128xi32, #tpu.memory_space<vmem>> -> memref<1x128xi32, #tpu.memory_space<vmem>>
        %dma_start3A_65 = tpu.memref_squeeze %dma_start3A_64 : memref<1x128xi32, #tpu.memory_space<vmem>> -> memref<128xi32, #tpu.memory_space<vmem>>
        %dma_start3A_66 = arith.constant 0 : i32
        %dma_start3A_67 = arith.constant 0 : i32
        %dma_start3A_68 = tpu.memref_slice %arg10[%dma_start3A_66, %dma_start3A_67] : memref<10240x128xf32, #tpu.memory_space<vmem_shared>> -> memref<10240x128xf32, #tpu.memory_space<vmem_shared>>
        tpu.enqueue_indirect_dma source(%arg8 : memref<128x128xf32, #tpu.memory_space<vmem>>) target(%dma_start3A_68 : memref<10240x128xf32, #tpu.memory_space<vmem_shared>>) offsets(%dma_start3A_65 : memref<128xi32, #tpu.memory_space<vmem>>) semaphore(%run_scoped3A : memref<!tpu.dma_semaphore, #tpu.memory_space<semaphore_mem>>) {add = true}
        %dma_wait3A_69 = arith.constant 0 : i32
        %dma_wait3A_70 = tpu.memref_slice %arg7[%add3A_52, %dma_wait3A_69] : memref<91x128xi32, #tpu.memory_space<vmem>> -> memref<1x128xi32, #tpu.memory_space<vmem>>
        %dma_wait3A_71 = tpu.memref_squeeze %dma_wait3A_70 : memref<1x128xi32, #tpu.memory_space<vmem>> -> memref<128xi32, #tpu.memory_space<vmem>>
        %dma_wait3A_72 = arith.constant 0 : i32
        %dma_wait3A_73 = arith.constant 0 : i32
        %dma_wait3A_74 = tpu.memref_slice %arg10[%dma_wait3A_72, %dma_wait3A_73] : memref<10240x128xf32, #tpu.memory_space<vmem_shared>> -> memref<10240x128xf32, #tpu.memory_space<vmem_shared>>
        tpu.wait_indirect_dma semaphore(%run_scoped3A : memref<!tpu.dma_semaphore, #tpu.memory_space<semaphore_mem>>) src(%arg8 : memref<128x128xf32, #tpu.memory_space<vmem>>) dst(%dma_wait3A_74 : memref<10240x128xf32, #tpu.memory_space<vmem_shared>>)
        tpu.yield
      }) : () -> ()
    }
    %while3A_44 = arith.constant 1 : i32
    scf.for %while3A_50 = %while3A_42 to %while3A_38 step %while3A_44  : i32 {
      %mul3A_51 = arith.muli %while3A_50, %while3A : i32
      %add3A_52 = arith.addi %while3A_35, %mul3A_51 : i32
      %dma_start3A = arith.constant 0 : i32
      %dma_start3A_53 = tpu.memref_slice %arg6[%add3A_52, %dma_start3A] : memref<91x128xi32, #tpu.memory_space<vmem>> -> memref<1x128xi32, #tpu.memory_space<vmem>>
      %dma_start3A_54 = tpu.memref_squeeze %dma_start3A_53 : memref<1x128xi32, #tpu.memory_space<vmem>> -> memref<128xi32, #tpu.memory_space<vmem>>
      %dma_start3A_55 = arith.constant 0 : i32
      %dma_start3A_56 = arith.constant 0 : i32
      %dma_start3A_57 = tpu.memref_slice %arg2[%dma_start3A_55, %dma_start3A_56] : memref<10000x128xf32, #tpu.memory_space<hbm>> -> memref<10000x128xf32, #tpu.memory_space<hbm>>
      tpu.enqueue_indirect_dma source(%dma_start3A_57 : memref<10000x128xf32, #tpu.memory_space<hbm>>) target(%arg8 : memref<128x128xf32, #tpu.memory_space<vmem>>) offsets(%dma_start3A_54 : memref<128xi32, #tpu.memory_space<vmem>>) semaphore(%arg9 : memref<!tpu.dma_semaphore, #tpu.memory_space<semaphore_mem>>)
      %dma_wait3A = arith.constant 0 : i32
      %dma_wait3A_58 = tpu.memref_slice %arg6[%add3A_52, %dma_wait3A] : memref<91x128xi32, #tpu.memory_space<vmem>> -> memref<1x128xi32, #tpu.memory_space<vmem>>
      %dma_wait3A_59 = tpu.memref_squeeze %dma_wait3A_58 : memref<1x128xi32, #tpu.memory_space<vmem>> -> memref<128xi32, #tpu.memory_space<vmem>>
      %dma_wait3A_60 = arith.constant 0 : i32
      %dma_wait3A_61 = arith.constant 0 : i32
      %dma_wait3A_62 = tpu.memref_slice %arg2[%dma_wait3A_60, %dma_wait3A_61] : memref<10000x128xf32, #tpu.memory_space<hbm>> -> memref<10000x128xf32, #tpu.memory_space<hbm>>
      tpu.wait_indirect_dma semaphore(%arg9 : memref<!tpu.dma_semaphore, #tpu.memory_space<semaphore_mem>>) src(%dma_wait3A_62 : memref<10000x128xf32, #tpu.memory_space<hbm>>) dst(%arg8 : memref<128x128xf32, #tpu.memory_space<vmem>>)
      "tpu.region"() ({
        %run_scoped3A = tpu.sem_alloc : memref<!tpu.dma_semaphore, #tpu.memory_space<semaphore_mem>>
        %dma_start3A_63 = arith.constant 0 : i32
        %dma_start3A_64 = tpu.memref_slice %arg7[%add3A_52, %dma_start3A_63] : memref<91x128xi32, #tpu.memory_space<vmem>> -> memref<1x128xi32, #tpu.memory_space<vmem>>
        %dma_start3A_65 = tpu.memref_squeeze %dma_start3A_64 : memref<1x128xi32, #tpu.memory_space<vmem>> -> memref<128xi32, #tpu.memory_space<vmem>>
        %dma_start3A_66 = arith.constant 0 : i32
        %dma_start3A_67 = arith.constant 0 : i32
        %dma_start3A_68 = tpu.memref_slice %arg10[%dma_start3A_66, %dma_start3A_67] : memref<10240x128xf32, #tpu.memory_space<vmem_shared>> -> memref<10240x128xf32, #tpu.memory_space<vmem_shared>>
        tpu.enqueue_indirect_dma source(%arg8 : memref<128x128xf32, #tpu.memory_space<vmem>>) target(%dma_start3A_68 : memref<10240x128xf32, #tpu.memory_space<vmem_shared>>) offsets(%dma_start3A_65 : memref<128xi32, #tpu.memory_space<vmem>>) semaphore(%run_scoped3A : memref<!tpu.dma_semaphore, #tpu.memory_space<semaphore_mem>>) {add = true}
        %dma_wait3A_69 = arith.constant 0 : i32
        %dma_wait3A_70 = tpu.memref_slice %arg7[%add3A_52, %dma_wait3A_69] : memref<91x128xi32, #tpu.memory_space<vmem>> -> memref<1x128xi32, #tpu.memory_space<vmem>>
        %dma_wait3A_71 = tpu.memref_squeeze %dma_wait3A_70 : memref<1x128xi32, #tpu.memory_space<vmem>> -> memref<128xi32, #tpu.memory_space<vmem>>
        %dma_wait3A_72 = arith.constant 0 : i32
        %dma_wait3A_73 = arith.constant 0 : i32
        %dma_wait3A_74 = tpu.memref_slice %arg10[%dma_wait3A_72, %dma_wait3A_73] : memref<10240x128xf32, #tpu.memory_space<vmem_shared>> -> memref<10240x128xf32, #tpu.memory_space<vmem_shared>>
        tpu.wait_indirect_dma semaphore(%run_scoped3A : memref<!tpu.dma_semaphore, #tpu.memory_space<semaphore_mem>>) src(%arg8 : memref<128x128xf32, #tpu.memory_space<vmem>>) dst(%dma_wait3A_74 : memref<10240x128xf32, #tpu.memory_space<vmem_shared>>)
        tpu.yield
      }) : () -> ()
    }
    %barrier3A_45 = arith.constant 0 : index
    tpu.barrier barrier_id(%barrier3A_45)
    %mul3A_46 = arith.constant 640 : i32
    %mul3A_47 = arith.muli %arg1, %mul3A_46 : i32
    %mul3A_48 = arith.constant 640 : i32
    %mul3A_49 = arith.muli %arg1, %mul3A_48 : i32
    "tpu.region"() ({
      %run_scoped3A = tpu.sem_alloc : memref<!tpu.dma_semaphore, #tpu.memory_space<semaphore_mem>>
      %dma_start3A = arith.constant 0 : i32
      %dma_start3A_50 = tpu.memref_slice %arg5[%arg0, %mul3A_49, %dma_start3A] : memref<2x10240x128xf32, #tpu.memory_space<hbm>> -> memref<1x640x128xf32, #tpu.memory_space<hbm>>
      %dma_start3A_51 = tpu.memref_squeeze %dma_start3A_50 : memref<1x640x128xf32, #tpu.memory_space<hbm>> -> memref<640x128xf32, #tpu.memory_space<hbm>>
      %dma_start3A_52 = arith.constant 0 : i32
      %dma_start3A_53 = tpu.memref_slice %arg10[%mul3A_47, %dma_start3A_52] : memref<10240x128xf32, #tpu.memory_space<vmem_shared>> -> memref<640x128xf32, #tpu.memory_space<vmem_shared>>
      tpu.enqueue_dma source(%dma_start3A_53 : memref<640x128xf32, #tpu.memory_space<vmem_shared>>) target(%dma_start3A_51 : memref<640x128xf32, #tpu.memory_space<hbm>>) target_semaphore(%run_scoped3A : memref<!tpu.dma_semaphore, #tpu.memory_space<semaphore_mem>>)
      %dma_wait3A = arith.constant 0 : i32
      %dma_wait3A_54 = tpu.memref_slice %arg5[%arg0, %mul3A_49, %dma_wait3A] : memref<2x10240x128xf32, #tpu.memory_space<hbm>> -> memref<1x640x128xf32, #tpu.memory_space<hbm>>
      %dma_wait3A_55 = tpu.memref_squeeze %dma_wait3A_54 : memref<1x640x128xf32, #tpu.memory_space<hbm>> -> memref<640x128xf32, #tpu.memory_space<hbm>>
      %dma_wait3A_56 = arith.constant 0 : i32
      %dma_wait3A_57 = tpu.memref_slice %arg10[%mul3A_47, %dma_wait3A_56] : memref<10240x128xf32, #tpu.memory_space<vmem_shared>> -> memref<640x128xf32, #tpu.memory_space<vmem_shared>>
      tpu.wait_dma2 semaphore(%run_scoped3A : memref<!tpu.dma_semaphore, #tpu.memory_space<semaphore_mem>>) src(%dma_wait3A_57 : memref<640x128xf32, #tpu.memory_space<vmem_shared>>) dst(%dma_wait3A_55 : memref<640x128xf32, #tpu.memory_space<hbm>>)
      tpu.yield
    }) : () -> ()
    return
  }
}

module attributes {stable_mosaic.version = 14 : i64} {
  func.func @_linrelu_body(%arg0: i32, %arg1: memref<2x1000x128xf32, #tpu.memory_space<vmem>>, %arg2: memref<128x128xf32, #tpu.memory_space<vmem>>, %arg3: memref<1x128xf32, #tpu.memory_space<vmem>>, %arg4: memref<1000x128xf32, #tpu.memory_space<vmem>>) attributes {dimension_semantics = [#tpu.dimension_semantics<arbitrary>], iteration_bounds = array<i64: 10>, scalar_prefetch = 0 : i64, scratch_operands = 0 : i64, tpu.core_type = #tpu.core_type<tc>, window_params = [{transform_indices = @transform_0, window_bounds = array<i64: 2, 1000, 128>}, {pipeline_mode = #tpu.pipeline_mode<synchronous>, transform_indices = @transform_1, window_bounds = array<i64: 128, 128>}, {pipeline_mode = #tpu.pipeline_mode<synchronous>, transform_indices = @transform_2, window_bounds = array<i64: 1, 128>}, {transform_indices = @transform_3, window_bounds = array<i64: 1000, 128>}]} {
    %get3A = arith.constant 0 : index
    %get3A_0 = arith.constant 0 : index
    %get3A_1 = arith.constant 0 : index
    %get3A_2 = vector.load %arg1[%get3A, %get3A_0, %get3A_1] : memref<2x1000x128xf32, #tpu.memory_space<vmem>>, vector<1x1000x128xf32>
    %get3A_3 = vector.shape_cast %get3A_2 : vector<1x1000x128xf32> to vector<1000x128xf32>
    %get3A_4 = arith.constant 1 : index
    %get3A_5 = arith.constant 0 : index
    %get3A_6 = arith.constant 0 : index
    %get3A_7 = vector.load %arg1[%get3A_4, %get3A_5, %get3A_6] : memref<2x1000x128xf32, #tpu.memory_space<vmem>>, vector<1x1000x128xf32>
    %get3A_8 = vector.shape_cast %get3A_7 : vector<1x1000x128xf32> to vector<1000x128xf32>
    %add3A = arith.addf %get3A_3, %get3A_8 : vector<1000x128xf32>
    %convert_element_type3A = arith.truncf %add3A : vector<1000x128xf32> to vector<1000x128xbf16>
    %get3A_9 = arith.constant 0 : index
    %get3A_10 = arith.constant 0 : index
    %get3A_11 = vector.load %arg2[%get3A_9, %get3A_10] : memref<128x128xf32, #tpu.memory_space<vmem>>, vector<128x128xf32>
    %convert_element_type3A_12 = arith.truncf %get3A_11 : vector<128x128xf32> to vector<128x128xbf16>
    %dot_general3A = arith.constant dense<0.000000e+00> : vector<1000x128xf32>
    %dot_general3A_13 = tpu.matmul %convert_element_type3A, %convert_element_type3A_12, %dot_general3A {dimension_numbers = #tpu.dot_dimension_numbers<[1], [0], [0], [1], [0, 0, 1, 1], [], []>, transpose_lhs_hint = false} : vector<1000x128xbf16>, vector<128x128xbf16>, vector<1000x128xf32> -> vector<1000x128xf32>
    %get3A_14 = arith.constant 0 : index
    %get3A_15 = arith.constant 0 : index
    %get3A_16 = vector.load %arg3[%get3A_14, %get3A_15] : memref<1x128xf32, #tpu.memory_space<vmem>>, vector<1x128xf32>
    %add3A_17 = vector.broadcast %get3A_16 : vector<1x128xf32> to vector<1000x128xf32>
    %add3A_18 = arith.addf %dot_general3A_13, %add3A_17 : vector<1000x128xf32>
    %max3A = arith.constant 0.000000e+00 : f32
    %max3A_19 = vector.broadcast %max3A : f32 to vector<1000x128xf32>
    %max3A_20 = arith.maximumf %add3A_18, %max3A_19 : vector<1000x128xf32>
    %swap3A = arith.constant 0 : index
    %swap3A_21 = arith.constant 0 : index
    %swap3A_22 = vector.load %arg4[%swap3A, %swap3A_21] : memref<1000x128xf32, #tpu.memory_space<vmem>>, vector<1000x128xf32>
    tpu.vector_store %arg4[%swap3A, %swap3A_21], %max3A_20 {strides = array<i32>} : memref<1000x128xf32, #tpu.memory_space<vmem>>, vector<1000x128xf32>,
    return
  }
  func.func @transform_0(%arg0: i32) -> (i32, i32, i32) {
    %c0_i32 = arith.constant 0 : i32
    %c0_i32_0 = arith.constant 0 : i32
    %c0_i32_1 = arith.constant 0 : i32
    return %c0_i32, %arg0, %c0_i32_0 : i32, i32, i32
  }
  func.func @transform_1(%arg0: i32) -> (i32, i32) {
    %c0_i32 = arith.constant 0 : i32
    %c0_i32_0 = arith.constant 0 : i32
    %c0_i32_1 = arith.constant 0 : i32
    return %c0_i32, %c0_i32_0 : i32, i32
  }
  func.func @transform_2(%arg0: i32) -> (i32, i32) {
    %c0_i32 = arith.constant 0 : i32
    %c0_i32_0 = arith.constant 0 : i32
    %c0_i32_1 = arith.constant 0 : i32
    return %c0_i32, %c0_i32_0 : i32, i32
  }
  func.func @transform_3(%arg0: i32) -> (i32, i32) {
    %c0_i32 = arith.constant 0 : i32
    %c0_i32_0 = arith.constant 0 : i32
    return %arg0, %c0_i32 : i32, i32
  }
}

module attributes {stable_mosaic.version = 14 : i64} {
  func.func @_l2_pool_body(%arg0: i32, %arg1: memref<2x1000x128xf32, #tpu.memory_space<vmem>>, %arg2: memref<128x128xf32, #tpu.memory_space<vmem>>, %arg3: memref<1x128xf32, #tpu.memory_space<vmem>>, %arg4: memref<128x128xf32, #tpu.memory_space<vmem>>, %arg5: memref<1x128xf32, #tpu.memory_space<vmem>>, %arg6: memref<1x128xf32, #tpu.memory_space<vmem>>) attributes {dimension_semantics = [#tpu.dimension_semantics<arbitrary>], iteration_bounds = array<i64: 10>, scalar_prefetch = 0 : i64, scratch_operands = 0 : i64, tpu.core_type = #tpu.core_type<tc>, window_params = [{transform_indices = @transform_0, window_bounds = array<i64: 2, 1000, 128>}, {pipeline_mode = #tpu.pipeline_mode<synchronous>, transform_indices = @transform_1, window_bounds = array<i64: 128, 128>}, {pipeline_mode = #tpu.pipeline_mode<synchronous>, transform_indices = @transform_2, window_bounds = array<i64: 1, 128>}, {pipeline_mode = #tpu.pipeline_mode<synchronous>, transform_indices = @transform_3, window_bounds = array<i64: 128, 128>}, {pipeline_mode = #tpu.pipeline_mode<synchronous>, transform_indices = @transform_4, window_bounds = array<i64: 1, 128>}, {pipeline_mode = #tpu.pipeline_mode<synchronous>, transform_indices = @transform_5, window_bounds = array<i64: 1, 128>}]} {
    %get3A = arith.constant 0 : index
    %get3A_0 = arith.constant 0 : index
    %get3A_1 = arith.constant 0 : index
    %get3A_2 = vector.load %arg1[%get3A, %get3A_0, %get3A_1] : memref<2x1000x128xf32, #tpu.memory_space<vmem>>, vector<1x1000x128xf32>
    %get3A_3 = vector.shape_cast %get3A_2 : vector<1x1000x128xf32> to vector<1000x128xf32>
    %get3A_4 = arith.constant 1 : index
    %get3A_5 = arith.constant 0 : index
    %get3A_6 = arith.constant 0 : index
    %get3A_7 = vector.load %arg1[%get3A_4, %get3A_5, %get3A_6] : memref<2x1000x128xf32, #tpu.memory_space<vmem>>, vector<1x1000x128xf32>
    %get3A_8 = vector.shape_cast %get3A_7 : vector<1x1000x128xf32> to vector<1000x128xf32>
    %add3A = arith.addf %get3A_3, %get3A_8 : vector<1000x128xf32>
    %convert_element_type3A = arith.truncf %add3A : vector<1000x128xf32> to vector<1000x128xbf16>
    %get3A_9 = arith.constant 0 : index
    %get3A_10 = arith.constant 0 : index
    %get3A_11 = vector.load %arg2[%get3A_9, %get3A_10] : memref<128x128xf32, #tpu.memory_space<vmem>>, vector<128x128xf32>
    %convert_element_type3A_12 = arith.truncf %get3A_11 : vector<128x128xf32> to vector<128x128xbf16>
    %dot_general3A = arith.constant dense<0.000000e+00> : vector<1000x128xf32>
    %dot_general3A_13 = tpu.matmul %convert_element_type3A, %convert_element_type3A_12, %dot_general3A {dimension_numbers = #tpu.dot_dimension_numbers<[1], [0], [0], [1], [0, 0, 1, 1], [], []>, transpose_lhs_hint = false} : vector<1000x128xbf16>, vector<128x128xbf16>, vector<1000x128xf32> -> vector<1000x128xf32>
    %get3A_14 = arith.constant 0 : index
    %get3A_15 = arith.constant 0 : index
    %get3A_16 = vector.load %arg3[%get3A_14, %get3A_15] : memref<1x128xf32, #tpu.memory_space<vmem>>, vector<1x128xf32>
    %add3A_17 = vector.broadcast %get3A_16 : vector<1x128xf32> to vector<1000x128xf32>
    %add3A_18 = arith.addf %dot_general3A_13, %add3A_17 : vector<1000x128xf32>
    %max3A = arith.constant 0.000000e+00 : f32
    %max3A_19 = vector.broadcast %max3A : f32 to vector<1000x128xf32>
    %max3A_20 = arith.maximumf %add3A_18, %max3A_19 : vector<1000x128xf32>
    %reduce_sum3A = arith.constant dense<0.000000e+00> : vector<128xf32>
    %reduce_sum3A_21 = vector.multi_reduction <add>, %max3A_20, %reduce_sum3A [0] : vector<1000x128xf32> to vector<128xf32>
    %broadcast_in_dim3A = vector.shape_cast %reduce_sum3A_21 : vector<128xf32> to vector<1x128xf32>
    %eq3A = arith.constant 0 : i32
    %eq3A_22 = arith.cmpi eq, %arg0, %eq3A : i32
    %convert_element_type3A_23 = arith.extui %eq3A_22 : i1 to i32
    %cond3A = arith.constant 0 : i32
    %cond3A_24 = arith.cmpi ne, %convert_element_type3A_23, %cond3A : i32
    scf.if %cond3A_24 {
      %swap3A = arith.constant 0 : index
      %swap3A_34 = arith.constant 0 : index
      %swap3A_35 = vector.load %arg6[%swap3A, %swap3A_34] : memref<1x128xf32, #tpu.memory_space<vmem>>, vector<1x128xf32>
      tpu.vector_store %arg6[%swap3A, %swap3A_34], %broadcast_in_dim3A {strides = array<i32>} : memref<1x128xf32, #tpu.memory_space<vmem>>, vector<1x128xf32>,
    } else {
    }
    %gt3A = arith.constant 0 : i32
    %gt3A_25 = arith.cmpi sgt, %arg0, %gt3A : i32
    %convert_element_type3A_26 = arith.extui %gt3A_25 : i1 to i32
    %cond3A_27 = arith.constant 0 : i32
    %cond3A_28 = arith.cmpi ne, %convert_element_type3A_26, %cond3A_27 : i32
    scf.if %cond3A_28 {
      %get3A_34 = arith.constant 0 : index
      %get3A_35 = arith.constant 0 : index
      %get3A_36 = vector.load %arg6[%get3A_34, %get3A_35] : memref<1x128xf32, #tpu.memory_space<vmem>>, vector<1x128xf32>
      %add3A_37 = arith.addf %get3A_36, %broadcast_in_dim3A : vector<1x128xf32>
      %swap3A = arith.constant 0 : index
      %swap3A_38 = arith.constant 0 : index
      %swap3A_39 = vector.load %arg6[%swap3A, %swap3A_38] : memref<1x128xf32, #tpu.memory_space<vmem>>, vector<1x128xf32>
      tpu.vector_store %arg6[%swap3A, %swap3A_38], %add3A_37 {strides = array<i32>} : memref<1x128xf32, #tpu.memory_space<vmem>>, vector<1x128xf32>,
    } else {
    }
    %eq3A_29 = arith.constant 9 : i32
    %eq3A_30 = arith.cmpi eq, %arg0, %eq3A_29 : i32
    %convert_element_type3A_31 = arith.extui %eq3A_30 : i1 to i32
    %cond3A_32 = arith.constant 0 : i32
    %cond3A_33 = arith.cmpi ne, %convert_element_type3A_31, %cond3A_32 : i32
    scf.if %cond3A_33 {
      %get3A_34 = arith.constant 0 : index
      %get3A_35 = arith.constant 0 : index
      %get3A_36 = vector.load %arg6[%get3A_34, %get3A_35] : memref<1x128xf32, #tpu.memory_space<vmem>>, vector<1x128xf32>
      %get3A_37 = arith.constant 0 : index
      %get3A_38 = arith.constant 0 : index
      %get3A_39 = vector.load %arg4[%get3A_37, %get3A_38] : memref<128x128xf32, #tpu.memory_space<vmem>>, vector<128x128xf32>
      %dot_general3A_40 = arith.constant dense<0.000000e+00> : vector<1x128xf32>
      %dot_general3A_41 = tpu.matmul %get3A_36, %get3A_39, %dot_general3A_40 {dimension_numbers = #tpu.dot_dimension_numbers<[1], [0], [0], [1], [0, 0, 1, 1], [], []>, transpose_lhs_hint = false} : vector<1x128xf32>, vector<128x128xf32>, vector<1x128xf32> -> vector<1x128xf32>
      %get3A_42 = arith.constant 0 : index
      %get3A_43 = arith.constant 0 : index
      %get3A_44 = vector.load %arg5[%get3A_42, %get3A_43] : memref<1x128xf32, #tpu.memory_space<vmem>>, vector<1x128xf32>
      %add3A_45 = arith.addf %dot_general3A_41, %get3A_44 : vector<1x128xf32>
      %max3A_46 = arith.constant 0.000000e+00 : f32
      %max3A_47 = vector.broadcast %max3A_46 : f32 to vector<1x128xf32>
      %max3A_48 = arith.maximumf %add3A_45, %max3A_47 : vector<1x128xf32>
      %swap3A = arith.constant 0 : index
      %swap3A_49 = arith.constant 0 : index
      %swap3A_50 = vector.load %arg6[%swap3A, %swap3A_49] : memref<1x128xf32, #tpu.memory_space<vmem>>, vector<1x128xf32>
      tpu.vector_store %arg6[%swap3A, %swap3A_49], %max3A_48 {strides = array<i32>} : memref<1x128xf32, #tpu.memory_space<vmem>>, vector<1x128xf32>,
    } else {
    }
    return
  }
  func.func @transform_0(%arg0: i32) -> (i32, i32, i32) {
    %c0_i32 = arith.constant 0 : i32
    %c0_i32_0 = arith.constant 0 : i32
    %c0_i32_1 = arith.constant 0 : i32
    return %c0_i32, %arg0, %c0_i32_0 : i32, i32, i32
  }
  func.func @transform_1(%arg0: i32) -> (i32, i32) {
    %c0_i32 = arith.constant 0 : i32
    %c0_i32_0 = arith.constant 0 : i32
    %c0_i32_1 = arith.constant 0 : i32
    return %c0_i32, %c0_i32_0 : i32, i32
  }
  func.func @transform_2(%arg0: i32) -> (i32, i32) {
    %c0_i32 = arith.constant 0 : i32
    %c0_i32_0 = arith.constant 0 : i32
    %c0_i32_1 = arith.constant 0 : i32
    return %c0_i32, %c0_i32_0 : i32, i32
  }
  func.func @transform_3(%arg0: i32) -> (i32, i32) {
    %c0_i32 = arith.constant 0 : i32
    %c0_i32_0 = arith.constant 0 : i32
    %c0_i32_1 = arith.constant 0 : i32
    return %c0_i32, %c0_i32_0 : i32, i32
  }
  func.func @transform_4(%arg0: i32) -> (i32, i32) {
    %c0_i32 = arith.constant 0 : i32
    %c0_i32_0 = arith.constant 0 : i32
    %c0_i32_1 = arith.constant 0 : i32
    return %c0_i32, %c0_i32_0 : i32, i32
  }
  func.func @transform_5(%arg0: i32) -> (i32, i32) {
    %c0_i32 = arith.constant 0 : i32
    %c0_i32_0 = arith.constant 0 : i32
    %c0_i32_1 = arith.constant 0 : i32
    return %c0_i32, %c0_i32_0 : i32, i32
  }
}

</mosaic_0001>

<sc_bundles>
// kernel: kernel.6.cloned.1.call-start
scs
__scs_entry_jumppad:
0x0: {  	(pc) =	sbr.rel $0x88, $3  }
0x1: {  	(tag) =	ssettag $0x0;
	lr =	simm.s32 $0x1  }
0x2: {  	[smem:$0x3F99] =	sst lr;
	_ =	strace $0xD0000000  }
0x3: {  	_ = 	snop  }
0x4: {  	_ = 	snop  }
0x5: {  	_ = 	snop  }
0x6: {  	_ = 	snop  }
0x7: {  	_ = 	snop  }
__scs_overlays_trampoline_lowered:
0x8: {  	[smem:$0x3FA8] =	sst s0  }
0x9: {  	[smem:$0x3FA9] =	sst s1  }
0xa: {  	[smem:$0x3FAA] =	sst s2  }
0xb: {  	[smem:$0x3FAB] =	sst s3  }
0xc: {  	[smem:$0x3FAC] =	sst s4  }
0xd: {  	[smem:$0x3FAD] =	sst s5  }
0xe: {  	[smem:$0x3FAE] =	sst s6  }
0xf: {  	[smem:$0x3FAF] =	sst s7  }
0x10: {  	[smem:$0x3FB0] =	sst s8  }
0x11: {  	[smem:$0x3FB1] =	sst s9;
	s0 =	simm.s32 @!p0 $0x0  }
0x12: {  	s1 =	sld [smem:$0x3F97];
	s0 =	simm.s32 @p0 $0x1  }
0x13: {  	[smem:$0x3FB2] =	sst s0;
	s0 =	simm.s32 @!p1 $0x0  }
0x14: {  	s2 =	sld [smem:$0x3F96];
	s0 =	simm.s32 @p1 $0x1  }
0x15: {  	[smem:$0x3FB3] =	sst s0;
	s0 =	simm.s32 @!p2 $0x0  }
0x16: {  	s3 =	sld [smem:$0x3FDB];
	s0 =	simm.s32 @p2 $0x1  }
0x17: {  	s4 =	simm.s32 $0x1BF5;
	[smem:$0x3FB5] =	sst s0  }
0x18: {  	s0 =	sld [smem:$0x3F98];
	_ =	swait.ge [sflag:s4], $0x0  }
0x19: {  	s7 =	sld [smem:$0x3F99]  }
0x1a: {  	s8 =	sadd.s32 $0xFFFFE003, lr  }
0x1b: {  	s9 =	sadd.s32 $0xFFFFFEF7, lr;
	s5 =	simm.s32 $0xFFFFFFFF;
	p2 =	slt.u32 s8, $0xFFFFF086  }
0x1c: {  	p1 =	slt.u32 s9, $0xF7A;
	s5 =	simm.s32 @!p2 $0x0  }
0x1d: {  	s5 =	simm.s32 @p1 $0x1;
	p0 =	seq.s32 s7, s2  }
0x1e: {  	s7 =	smul.u32 @!p0 $0xF7A, s2;
	p2 =	seq.s32 @!p0 s5, $0x0  }
0x1f: {  	s9 =	smul.u32 $0xF7A, s1;
	s8 =	simm.s32 @!p0 $0x1BF5;
	p2 =	por !p2, p0  }
0x20: {  	[sflag:s8] =	ssyncset.s32 @!p0 $0xFFFFF086;
	s6 =	sadd.s32 @!p0 s3, s7;
	s7 =	simm.s32 @!p0 $0x108  }
0x21: {  	s3 =	sadd.s32 s3, s9;
	s6 =	sadd.s32 @!p0 $0x88, s6;
	s7 =	simm.s32 @p2 $0x1082  }
0x22: {  	[simem:s7], [sflag:s8] =	dma.local @!p0 [hbm:s6], $0xF7A  }
0x23: {  	s9 =	sor.u32 $0xD0000000, s2;
	s6 =	simm.s32 $0x108;
	_ =	swait.ge @!p0 [sflag:s8], $0x0  }
0x24: {  	s3 =	sadd.s32 $0x88, s3;
	s6 =	simm.s32 @!p1 $0x1082;
	[sflag:s4] =	ssyncset.s32 $0xFFFFF086  }
0x25: {  	[simem:s6], [sflag:s4] =	dma.local [hbm:s3], $0xF7A  }
0x26: {  	[smem:$0x3F99] =	sst s1;
	(tag) =	ssettag s2;
	_ =	strace s9  }
0x27: {  	s1 =	sld [smem:$0x3FA9]  }
0x28: {  	s2 =	sld [smem:$0x3FAA]  }
0x29: {  	s4 =	sld [smem:$0x3FAC]  }
0x2a: {  	p0 =	seq.s32 s5, $0x0;
	s5 =	sld [smem:$0x3FAD]  }
0x2b: {  	s6 =	sld [smem:$0x3FAE]  }
0x2c: {  	s7 =	sld [smem:$0x3FAF]  }
0x2d: {  	s3 =	simm.s32 $0x108;
	s8 =	sld [smem:$0x3FB0]  }
0x2e: {  	s3 =	simm.s32 @!p0 $0x1082;
	s9 =	sld [smem:$0x3FB1]  }
0x2f: {  	lr =	sadd.s32 s0, s3;
	s0 =	sld [smem:$0x3FA8]  }
0x30: {  	s3 =	sld [smem:$0x3FAB]  }
0x31: {  	[smem:$0x3FB4] =	sst s10  }
0x32: {  	s10 =	sld [smem:$0x3FB2];
	_ =	sdelay $0x3  }
0x33: {  	p0 =	seq.s32 s10, $0x1;
	s10 =	sld [smem:$0x3FB4];
	_ =	sdelay $0x3  }
0x34: {  	[smem:$0x3FB4] =	sst s10  }
0x35: {  	s10 =	sld [smem:$0x3FB3];
	_ =	sdelay $0x3  }
0x36: {  	p1 =	seq.s32 s10, $0x1;
	s10 =	sld [smem:$0x3FB4];
	_ =	sdelay $0x3  }
0x37: {  	[smem:$0x3FB4] =	sst s10  }
0x38: {  	s10 =	sld [smem:$0x3FB5]  }
0x39: {  	_ = 	snop;
	(pc) =	sbr.ind lr, $3  }
0x3a: {  	_ = 	snop  }
0x3b: {  	_ = 	snop  }
0x3c: {  	p2 =	seq.s32 s10, $0x1;
	s10 =	sld [smem:$0x3FB4]  }
0x3d: {  	_ =	shalt  }
0x3e: {  	_ =	shalt  }
0x3f: {  	_ =	shalt  }
0x40: {  	_ =	shalt  }
0x41: {  	_ =	shalt  }
0x42: {  	_ =	shalt  }
0x43: {  	_ =	shalt  }
0x44: {  	_ =	shalt  }
0x45: {  	_ =	shalt  }
0x46: {  	_ =	shalt  }
0x47: {  	_ =	shalt  }
0x48: {  	_ =	shalt  }
0x49: {  	_ =	shalt  }
0x4a: {  	_ =	shalt  }
0x4b: {  	_ =	shalt  }
0x4c: {  	_ =	shalt  }
0x4d: {  	_ =	shalt  }
0x4e: {  	_ =	shalt  }
0x4f: {  	_ =	shalt  }
0x50: {  	_ =	shalt  }
0x51: {  	_ =	shalt  }
0x52: {  	_ =	shalt  }
0x53: {  	_ =	shalt  }
0x54: {  	_ =	shalt  }
0x55: {  	_ =	shalt  }
0x56: {  	_ =	shalt  }
0x57: {  	_ =	shalt  }
0x58: {  	_ =	shalt  }
0x59: {  	_ =	shalt  }
0x5a: {  	_ =	shalt  }
0x5b: {  	_ =	shalt  }
0x5c: {  	_ =	shalt  }
0x5d: {  	_ =	shalt  }
0x5e: {  	_ =	shalt  }
0x5f: {  	_ =	shalt  }
0x60: {  	_ =	shalt  }
0x61: {  	_ =	shalt  }
0x62: {  	_ =	shalt  }
0x63: {  	_ =	shalt  }
0x64: {  	_ =	shalt  }
0x65: {  	_ =	shalt  }
0x66: {  	_ =	shalt  }
0x67: {  	_ =	shalt  }
0x68: {  	_ =	shalt  }
0x69: {  	_ =	shalt  }
0x6a: {  	_ =	shalt  }
0x6b: {  	_ =	shalt  }
0x6c: {  	_ =	shalt  }
0x6d: {  	_ =	shalt  }
0x6e: {  	_ =	shalt  }
0x6f: {  	_ =	shalt  }
0x70: {  	_ =	shalt  }
0x71: {  	_ =	shalt  }
0x72: {  	_ =	shalt  }
0x73: {  	_ =	shalt  }
0x74: {  	_ =	shalt  }
0x75: {  	_ =	shalt  }
0x76: {  	_ =	shalt  }
0x77: {  	_ =	shalt  }
0x78: {  	_ =	shalt  }
0x79: {  	_ =	shalt  }
0x7a: {  	_ =	shalt  }
0x7b: {  	_ =	shalt  }
0x7c: {  	_ =	shalt  }
0x7d: {  	_ =	shalt  }
0x7e: {  	_ =	shalt  }
0x7f: {  	_ =	shalt  }
0x80: {  	_ =	shalt  }
0x81: {  	_ =	shalt  }
0x82: {  	_ =	shalt  }
0x83: {  	_ =	shalt  }
0x84: {  	_ =	shalt  }
0x85: {  	_ =	shalt  }
0x86: {  	_ =	shalt  }
0x87: {  	_ =	shalt  }
.Lfunc_end0:
.L_simem_size_0:
called_computation_lowered:
.L_overlay_start_0:
0x88: {  	s2 =	sld [smem:$0x3FD9]  }
0x89: {  	s3 =	sld [smem:$0x3FFE];
	_ =	sdelay $0x1  }
0x8a: {  	s1 =	srdreg.scid  }
0x8b: {  	s0 =	sand.u32 $0x1, s1  }
0x8c: {  	s17 =	sshll.u32 s0, $0xA;
	s2 =	sadd.s32 s3, s2  }
0x8d: {  	s2 =	sadd.s32 s2, s17  }
0x8e: {  	[smem:$0x3FC0] =	sst s2  }
0x8f: {  	_ = 	snop  }
0x90: {  	s2 =	sld [smem:$0x3FC9];
	(tm) =	ssettm $0x1  }
0x91: {  	s18 =	sld [smem:$0x3FFB];
	_ =	sdelay $0x3  }
0x92: {  	_ =	strace s18  }
0x93: {  	s3 =	sld [smem:$0x3FFC];
	_ =	sdelay $0x3  }
0x94: {  	_ =	strace s3  }
0x95: {  	s3 =	sld [smem:$0x3FFD];
	_ =	sdelay $0x3  }
0x96: {  	_ =	strace s3  }
0x97: {  	_ =	strace $0x8FFFFFFF  }
0x98: {  	s19 =	sld [smem:$0x3FDB];
	_ =	sdelay $0x1  }
0x99: {  	s4 =	simm.s32 $_scs_section_size  }
0x9a: {  	s5 =	simm.s32 $_size__tile_overlayer_lowered;
	s6 =	simm.s32 $_tile_overlayer_lowered  }
0x9b: {  	s22 =	simm.s32 $0x1BFF;
	s21 =	sshll.u32 s6, $0x1;
	s3 =	sadd.s32 s4, s19  }
0x9c: {  	s7 =	simm.s32 $0x0;
	s20 =	sshll.u32 s5, $0x1;
	s5 =	sadd.s32 s21, s3  }
0x9d: {  	[timem:s7], [sflag:s22] =	dma.local [hbm:s5], s20  }
0x9e: {  	_ =	swait.ge [sflag:s22], s20  }
0x9f: {  	s4 =	ssub.s32 $0x0, s20;
	[sflag:s22] =	ssyncset.done $0x0  }
0xa0: {  	[sflag:s22] =	ssyncadd.s32 s4;
	_ =	sdelay $0x1  }
0xa1: {  	s23 =	simm.s32 $0x1B8B  }
0xa2: {  	_ =	swait.ge [sflag:s23], $0x1  }
0xa3: {  	[sflag:s23] =	ssyncset.done $0x0  }
0xa4: {  	s25 =	simm.s32 $0x1B8E;
	s24 =	sld [smem:$0x3FFE];
	[sflag:s23] =	ssyncadd.s32 $0xFFFFFFFF  }
0xa5: {  	s26 =	simm.s32 $execute0_lowered;
	[smem:$0x3FD2] =	sst s25  }
0xa6: {  	s5 =	sshll.u32 s26, $0x1;
	_ =	strace $0x80000046;
	[dreg:$0x1] =	wrdreg $0xFFFFFFFF  }
0xa7: {  	s28 =	simm.s32 $_size_execute0_lowered;
	s3 =	sadd.s32 s3, s5;
	[dreg:$0x0] =	wrdreg $0x0  }
0xa8: {  	s5 =	sshll.u32 s28, $0x1;
	[dreg:$0x2] =	wrdreg s3  }
0xa9: {  	[dreg:$0x3] =	wrdreg s5  }
0xaa: {  	[dreg:$0x4] =	wrdreg $0xC0  }
0xab: {  	_ =	task [dreg:s7], $0x5FFFF  }
0xac: {  	[dreg:$0x1] =	wrdreg $0xFFFFFFFF  }
0xad: {  	[dreg:$0x0] =	wrdreg $0x60  }
0xae: {  	[dreg:$0x2] =	wrdreg s2  }
0xaf: {  	[dreg:$0x3] =	wrdreg s24  }
0xb0: {  	[dreg:$0x4] =	wrdreg $0xA0000  }
0xb1: {  	[dreg:$0x5] =	wrdreg $0x9  }
0xb2: {  	_ =	task.clear_ibuf [dreg:s7], $0x6FFFF;
	_ =	strace $0x90000046  }
0xb3: {  	s29 =	simm.s32 $0x9;
	_ =	strace $0x80000048  }
0xb4: {  	_ =	swait.ge [sflag:s29], $0x1  }
0xb5: {  	[sflag:s29] =	ssyncadd.s32 $0xFFFFFFFF  }
0xb6: {  	_ =	strace $0x90000048  }
0xb7: {  	_ =	sfence  }
0xb8: {  	s30 =	sld [smem:$0x0];
	_ =	sdelay $0x2  }
0xb9: {  	s31 =	sshll.u32 s1, $0xD;
	s1 =	sshrl.u32 s1, $0x2  }
0xba: {  	s3 =	sand.u32 $0x4000, s31;
	s1 =	sadd.s32 s1, s30  }
0xbb: {  	s0 =	sor.u32 s3, s0;
	s1 =	sshll.u32 s1, $0x11  }
0xbc: {  	s0 =	sor.u32 s1, s0  }
0xbd: {  	s0 =	sadd.s32 $0x8F2B, s0  }
0xbe: {  	[sflag:s0] =	ssyncadd.remote.s32 $0x1  }
0xbf: {  	_ =	sfence.sel $0xFFFF  }
0xc0: {  	[dreg:$0x0] =	wrdreg $0xFFFFFFFF;
	(pc) =	sbr.abs _section_cstart, $3  }
0xc1: {  	[dreg:$0x1] =	wrdreg $0xFFFFFFFF  }
0xc2: {  	_ =	task.clear_ibuf [dreg:s7], $0x2FFFF;
	_ =	strace $0x9FFFFFFF  }
0xc3: {  	(tm) =	ssettm $0x7FFFFFFF  }
tec
execute0_lowered:
.L_overlay_start_1:
0x0: {  	(tag) =	ssettag $0x1  }
0x1: {  	s2 =	srdreg.scid;
	s1 =	rddreg [dreg:$0x0]  }
0x2: {  	s0 =	stileid.u32;
	s5 =	rddreg [dreg:$0x1]  }
0x3: {  	s3 =	rddreg [dreg:$0x2];
	s4 =	simm.s32 $0x0;
	s15 =	simm.s32 $0x6000  }
0x4: {  	s16 =	simm.s32 $0x2;
	s17 =	simm.s32 $0x80;
	s18 =	simm.s32 $0x1  }
0x5: {  	s10 =	sand.u32 $0x1, s2;
	s28 =	sshll.u32 s0, $0x1;
	s8 =	smul.u32 $0x14000, s0  }
0x6: {  	[smem:$0x7FF] =	sst s4;
	s9 =	smul.u32 $0x50000, s0;
	s19 =	sshll.u32 s0, $0x6  }
0x7: {  	s2 =	sor.u32 s10, s28;
	s7 =	smul.u32 $0x140000, s10;
	s30 =	ssub.s32 $0x2, s10  }
0x8: {  	p0 =	seq.s32 s10, $0x0;
	s10 =	simm.s32 $0x5B;
	s19 =	sor.u32 $0x1C02, s19  }
0x9: {  	s6 =	smul.u32 $0x600, s2;
	s2 =	rddreg [dreg:$0x3];
	_ =	strace $0x80000047  }
0xa: {  	s31 =	sshrl.u32 s30, $0x1;
	s9 =	sshrl.u32 s9, $0x2;
	s29 =	sadd.s32 s8, s7  }
0xb: {  	s14 =	ssub.s32 s30, s31;
	s12 =	sadd.s32 s6, s5;
	s6 =	sshrl.u32 s29, $0x3  }
0xc: {  	s10 =	simm.s32 @!p0 $0x42;
	s14 =	smax.u32 s14, $0x1;
	s13 =	sadd.s32 s6, s5  }
0xd: {  	s5 =	sadd.s32 s9, s3;
	s11 =	sadd.s32 $0x2600, s12;
	s12 =	sadd.s32 $0x16200, s12  }
0xe: {  	s6 =	sadd.s32 $0x4000, s5;
	s7 =	sadd.s32 $0x8000, s5;
	s8 =	sadd.s32 $0xC000, s5  }
0xf: {  	v0 =	vimm.f32 $0.0e+00;
	s9 =	sadd.s32 $0x10000, s5;
	s13 =	sadd.s32 $0x22200, s13;
	s20 =	sshrl.u32 s5, $0x3  }
.LBB2_1:
0x10: {  	s21 =	simm.s32 $0x0;
	s22 =	simm.s32 $0x200  }
.LBB2_2:
0x11: {  	p0 =	sne.s32 s22, $0xFE00;
	[tilespmem:s21+$0x6070] =	vst v0  }
0x12: {  	[tilespmem:s21+$0x6000] =	vst v0  }
0x13: {  	[tilespmem:s21+$0x6010] =	vst v0  }
.Ltmp0:
0x14: {  	[tilespmem:s21+$0x6020] =	vst v0;
	(pc) =	sbr.rel @p0 .LBB2_2-.Ltmp0, $4  }
0x15: {  	[tilespmem:s21+$0x6030] =	vst v0  }
0x16: {  	[tilespmem:s21+$0x6040] =	vst v0  }
0x17: {  	[tilespmem:s21+$0x6050] =	vst v0  }
0x18: {  	[tilespmem:s21+$0x6060] =	vst v0;
	s21 =	sshra.s32 s22, $0x2;
	s22 =	sadd.s32 $0x200, s22  }
0x19: {  	[tilespmem:s21+$0x6070] =	vst v0  }
0x1a: {  	[tilespmem:s21+$0x6000] =	vst v0  }
0x1b: {  	[tilespmem:s21+$0x6010] =	vst v0  }
0x1c: {  	[tilespmem:s21+$0x6020] =	vst v0  }
0x1d: {  	[tilespmem:s21+$0x6030] =	vst v0  }
0x1e: {  	[tilespmem:s21+$0x6040] =	vst v0  }
0x1f: {  	[tilespmem:s21+$0x6050] =	vst v0  }
0x20: {  	[tilespmem:s21+$0x6060] =	vst v0  }
0x21: {  	[spmem:s5] =	stream.linear.scatter [tilespmem:s15], [sflag:$0x2], $0x4000, $0x38;
	[tilespmem:$0x1E000] =	vst v63  }
0x22: {  	_ =	swait.ge [sflag:s16], $0x4000  }
0x23: {  	[sflag:s16] =	ssyncset.done $0x0  }
0x24: {  	[sflag:s16] =	ssyncadd.s32 $0xFFFFC000  }
0x25: {  	[spmem:s6] =	stream.linear.scatter [tilespmem:s15], [sflag:$0x2], $0x4000, $0x38;
	[tilespmem:$0x1E000] =	vst v63  }
0x26: {  	_ =	swait.ge [sflag:s16], $0x4000  }
0x27: {  	[sflag:s16] =	ssyncset.done $0x0  }
0x28: {  	[sflag:s16] =	ssyncadd.s32 $0xFFFFC000  }
0x29: {  	[spmem:s7] =	stream.linear.scatter [tilespmem:s15], [sflag:$0x2], $0x4000, $0x38;
	[tilespmem:$0x1E000] =	vst v63  }
0x2a: {  	_ =	swait.ge [sflag:s16], $0x4000  }
0x2b: {  	[sflag:s16] =	ssyncset.done $0x0  }
0x2c: {  	[sflag:s16] =	ssyncadd.s32 $0xFFFFC000  }
0x2d: {  	[spmem:s8] =	stream.linear.scatter [tilespmem:s15], [sflag:$0x2], $0x4000, $0x38;
	[tilespmem:$0x1E000] =	vst v63  }
0x2e: {  	_ =	swait.ge [sflag:s16], $0x4000  }
0x2f: {  	[sflag:s16] =	ssyncset.done $0x0  }
0x30: {  	[sflag:s16] =	ssyncadd.s32 $0xFFFFC000  }
0x31: {  	[spmem:s9] =	stream.linear.scatter [tilespmem:s15], [sflag:$0x2], $0x4000, $0x38;
	[tilespmem:$0x1E000] =	vst v63  }
0x32: {  	_ =	swait.ge [sflag:s16], $0x4000  }
0x33: {  	[sflag:s16] =	ssyncset.done $0x0  }
0x34: {  	s21 =	simm.s32 $0x0;
	[sflag:s16] =	ssyncadd.s32 $0xFFFFC000  }
0x35: {  	[tilespmem:s21], [sflag:$0x2] =	stream.linear.gather [hbm4b:s11+s21], $0x2D80, $0x38;
	[tilespmem:$0x1E000] =	vst v63  }
0x36: {  	_ =	swait.ge [sflag:s16], $0x2D80  }
0x37: {  	[sflag:s16] =	ssyncset.done $0x0  }
0x38: {  	s22 =	simm.s32 $0x3000;
	[sflag:s16] =	ssyncadd.s32 $0xFFFFD280  }
0x39: {  	[tilespmem:s22], [sflag:$0x2] =	stream.linear.gather [hbm4b:s12+s21], $0x2D80, $0x38;
	[tilespmem:$0x1E000] =	vst v63  }
0x3a: {  	_ =	swait.ge [sflag:s16], $0x2D80  }
0x3b: {  	[sflag:s16] =	ssyncset.done $0x0  }
0x3c: {  	[sflag:s16] =	ssyncadd.s32 $0xFFFFD280  }
0x3d: {  	[bflag:$0x0] =	sbarrier.arrive $0xFFFF  }
0x3e: {  	[tilespmem:s15], [sflag:$0x1] =	stream.indirect.gather [hbm4b:s1+s17], $0x80, s21, s17, $0xb8;
	[tilespmem:$0x1E000] =	vst v63  }
0x3f: {  	p0 =	sne.s32 s10, $0x1;
	_ =	swait.ge [sflag:s18], $0x4000  }
.Ltmp1:
0x40: {  	[sflag:s18] =	ssyncset.done $0x0;
	(pc) =	sbr.rel @!p0 .LBB2_5-.Ltmp1, $4  }
0x41: {  	[sflag:s18] =	ssyncadd.s32 $0xFFFFC000  }
0x42: {  	[spmem:s3] =	stream.indirect.scatter.add.f32 [tilespmem:s15], [sflag:$0x2], $0x80, s22, s17, $0xb8;
	[tilespmem:$0x1E000] =	vst v63  }
0x43: {  	_ =	swait.ge [sflag:s16], $0x4000  }
0x44: {  	s23 =	sadd.s32 $0xFFFFFFFF, s10;
	[sflag:s16] =	ssyncset.done $0x0  }
.LBB2_4:
0x45: {  	[sflag:s16] =	ssyncadd.s32 $0xFFFFC000;
	s21 =	sadd.s32 $0x80, s21;
	s22 =	sadd.s32 $0x80, s22  }
0x46: {  	[tilespmem:s15], [sflag:$0x1] =	stream.indirect.gather [hbm4b:s1+s17], $0x80, s21, s17, $0xb8;
	[tilespmem:$0x1E000] =	vst v63  }
0x47: {  	p0 =	sne.s32 s23, $0x1;
	s23 =	sadd.s32 $0xFFFFFFFF, s23;
	_ =	swait.ge [sflag:s18], $0x4000  }
.Ltmp2:
0x48: {  	[sflag:s18] =	ssyncset.done $0x0;
	(pc) =	sbr.rel @p0 .LBB2_4-.Ltmp2, $4  }
0x49: {  	[sflag:s18] =	ssyncadd.s32 $0xFFFFC000  }
0x4a: {  	[spmem:s3] =	stream.indirect.scatter.add.f32 [tilespmem:s15], [sflag:$0x2], $0x80, s22, s17, $0xb8;
	[tilespmem:$0x1E000] =	vst v63  }
0x4b: {  	_ =	swait.ge [sflag:s16], $0x4000  }
0x4c: {  	[sflag:s16] =	ssyncset.done $0x0  }
.LBB2_5:
0x4d: {  	s4 =	sadd.s32 $0x1, s4  }
0x4e: {  	[sflag:s16] =	ssyncadd.s32 $0xFFFFC000;
	p0 =	sne.s32 s4, s14  }
.Ltmp3:
0x4f: {  	[bflag:$0x0] =	sbarrier.arrive $0xFFFF;
	(pc) =	sbr.rel @p0 .LBB2_1-.Ltmp3, $4  }
0x50: {  	[hbm:s13], [sflag:s19] =	dma.local [spmem:s20], $0x2800  }
0x51: {  	_ =	swait.ge [sflag:s16], $0x2800  }
0x52: {  	[sflag:s16] =	ssyncset.done $0x0  }
0x53: {  	[sflag:s16] =	ssyncadd.s32 $0xFFFFD800  }
0x54: {  	_ =	sfence.sel $0x180000  }
0x55: {  	[bflag:$0x0] =	sbarrier.arrive $0xFFFF  }
0x56: {  	p0 =	sne.s32 s0, $0x0;
	_ =	strace $0x90000047  }
0x57: {  	s0 =	sadd.s32 @!p0 $0x100000, s2;
	[bflag:$0x2] =	sbarrier.arrive $0xFFFF  }
0x58: {  	[sflag:s0] =	ssyncadd.tile.s32 @!p0 $0x1;
	_ =	shalt  }
.Lfunc_end2:
_tile_overlayer_lowered:
.L_overlay_start_2:
0x59: {  	(tag) =	ssettag $0x2  }
0x5a: {  	s0 =	rddreg [dreg:$0x0];
	s2 =	stileid.u32  }
0x5b: {  	s1 =	rddreg [dreg:$0x1];
	p0 =	sne.s32 s2, $0x0  }
0x5c: {  	s3 =	rddreg [dreg:$0x2];
	[bflag:$0x3] =	sbarrier.arrive $0xFFFF;
	s2 =	simm.s32 @!p0 $0x1C02  }
0x5d: {  	[timem:s3], [sflag:s2] =	dma.local @!p0 [hbm:s0], s1  }
0x5e: {  	s0 =	simm.s32 @!p0 $0x2  }
0x5f: {  	_ =	swait.ge @!p0 [sflag:s0], s1  }
0x60: {  	s1 =	ssub.s32 @!p0 $0x0, s1;
	[sflag:s0] =	ssyncset.done @!p0 $0x0  }
0x61: {  	[sflag:s0] =	ssyncadd.s32 @!p0 s1  }
0x62: {  	[bflag:$0x3] =	sbarrier.arrive $0xFFFF  }
0x63: {  	_ =	shalt  }

// kernel: kernel.9.cloned.1.call-start
scs
__scs_entry_jumppad:
0x0: {  	(pc) =	sbr.rel $0x88, $3  }
0x1: {  	(tag) =	ssettag $0x0;
	lr =	simm.s32 $0x1  }
0x2: {  	[smem:$0x3F99] =	sst lr;
	_ =	strace $0xD0000000  }
0x3: {  	_ = 	snop  }
0x4: {  	_ = 	snop  }
0x5: {  	_ = 	snop  }
0x6: {  	_ = 	snop  }
0x7: {  	_ = 	snop  }
__scs_overlays_trampoline_lowered:
0x8: {  	[smem:$0x3FA8] =	sst s0  }
0x9: {  	[smem:$0x3FA9] =	sst s1  }
0xa: {  	[smem:$0x3FAA] =	sst s2  }
0xb: {  	[smem:$0x3FAB] =	sst s3  }
0xc: {  	[smem:$0x3FAC] =	sst s4  }
0xd: {  	[smem:$0x3FAD] =	sst s5  }
0xe: {  	[smem:$0x3FAE] =	sst s6  }
0xf: {  	[smem:$0x3FAF] =	sst s7  }
0x10: {  	[smem:$0x3FB0] =	sst s8  }
0x11: {  	[smem:$0x3FB1] =	sst s9;
	s0 =	simm.s32 @!p0 $0x0  }
0x12: {  	s1 =	sld [smem:$0x3F97];
	s0 =	simm.s32 @p0 $0x1  }
0x13: {  	[smem:$0x3FB2] =	sst s0;
	s0 =	simm.s32 @!p1 $0x0  }
0x14: {  	s2 =	sld [smem:$0x3F96];
	s0 =	simm.s32 @p1 $0x1  }
0x15: {  	[smem:$0x3FB3] =	sst s0;
	s0 =	simm.s32 @!p2 $0x0  }
0x16: {  	s3 =	sld [smem:$0x3FDB];
	s0 =	simm.s32 @p2 $0x1  }
0x17: {  	s4 =	simm.s32 $0x1BF5;
	[smem:$0x3FB5] =	sst s0  }
0x18: {  	s0 =	sld [smem:$0x3F98];
	_ =	swait.ge [sflag:s4], $0x0  }
0x19: {  	s7 =	sld [smem:$0x3F99]  }
0x1a: {  	s8 =	sadd.s32 $0xFFFFE003, lr  }
0x1b: {  	s9 =	sadd.s32 $0xFFFFFEF7, lr;
	s5 =	simm.s32 $0xFFFFFFFF;
	p2 =	slt.u32 s8, $0xFFFFF086  }
0x1c: {  	p1 =	slt.u32 s9, $0xF7A;
	s5 =	simm.s32 @!p2 $0x0  }
0x1d: {  	s5 =	simm.s32 @p1 $0x1;
	p0 =	seq.s32 s7, s2  }
0x1e: {  	s7 =	smul.u32 @!p0 $0xF7A, s2;
	p2 =	seq.s32 @!p0 s5, $0x0  }
0x1f: {  	s9 =	smul.u32 $0xF7A, s1;
	s8 =	simm.s32 @!p0 $0x1BF5;
	p2 =	por !p2, p0  }
0x20: {  	[sflag:s8] =	ssyncset.s32 @!p0 $0xFFFFF086;
	s6 =	sadd.s32 @!p0 s3, s7;
	s7 =	simm.s32 @!p0 $0x108  }
0x21: {  	s3 =	sadd.s32 s3, s9;
	s6 =	sadd.s32 @!p0 $0x88, s6;
	s7 =	simm.s32 @p2 $0x1082  }
0x22: {  	[simem:s7], [sflag:s8] =	dma.local @!p0 [hbm:s6], $0xF7A  }
0x23: {  	s9 =	sor.u32 $0xD0000000, s2;
	s6 =	simm.s32 $0x108;
	_ =	swait.ge @!p0 [sflag:s8], $0x0  }
0x24: {  	s3 =	sadd.s32 $0x88, s3;
	s6 =	simm.s32 @!p1 $0x1082;
	[sflag:s4] =	ssyncset.s32 $0xFFFFF086  }
0x25: {  	[simem:s6], [sflag:s4] =	dma.local [hbm:s3], $0xF7A  }
0x26: {  	[smem:$0x3F99] =	sst s1;
	(tag) =	ssettag s2;
	_ =	strace s9  }
0x27: {  	s1 =	sld [smem:$0x3FA9]  }
0x28: {  	s2 =	sld [smem:$0x3FAA]  }
0x29: {  	s4 =	sld [smem:$0x3FAC]  }
0x2a: {  	p0 =	seq.s32 s5, $0x0;
	s5 =	sld [smem:$0x3FAD]  }
0x2b: {  	s6 =	sld [smem:$0x3FAE]  }
0x2c: {  	s7 =	sld [smem:$0x3FAF]  }
0x2d: {  	s3 =	simm.s32 $0x108;
	s8 =	sld [smem:$0x3FB0]  }
0x2e: {  	s3 =	simm.s32 @!p0 $0x1082;
	s9 =	sld [smem:$0x3FB1]  }
0x2f: {  	lr =	sadd.s32 s0, s3;
	s0 =	sld [smem:$0x3FA8]  }
0x30: {  	s3 =	sld [smem:$0x3FAB]  }
0x31: {  	[smem:$0x3FB4] =	sst s10  }
0x32: {  	s10 =	sld [smem:$0x3FB2];
	_ =	sdelay $0x3  }
0x33: {  	p0 =	seq.s32 s10, $0x1;
	s10 =	sld [smem:$0x3FB4];
	_ =	sdelay $0x3  }
0x34: {  	[smem:$0x3FB4] =	sst s10  }
0x35: {  	s10 =	sld [smem:$0x3FB3];
	_ =	sdelay $0x3  }
0x36: {  	p1 =	seq.s32 s10, $0x1;
	s10 =	sld [smem:$0x3FB4];
	_ =	sdelay $0x3  }
0x37: {  	[smem:$0x3FB4] =	sst s10  }
0x38: {  	s10 =	sld [smem:$0x3FB5]  }
0x39: {  	_ = 	snop;
	(pc) =	sbr.ind lr, $3  }
0x3a: {  	_ = 	snop  }
0x3b: {  	_ = 	snop  }
0x3c: {  	p2 =	seq.s32 s10, $0x1;
	s10 =	sld [smem:$0x3FB4]  }
0x3d: {  	_ =	shalt  }
0x3e: {  	_ =	shalt  }
0x3f: {  	_ =	shalt  }
0x40: {  	_ =	shalt  }
0x41: {  	_ =	shalt  }
0x42: {  	_ =	shalt  }
0x43: {  	_ =	shalt  }
0x44: {  	_ =	shalt  }
0x45: {  	_ =	shalt  }
0x46: {  	_ =	shalt  }
0x47: {  	_ =	shalt  }
0x48: {  	_ =	shalt  }
0x49: {  	_ =	shalt  }
0x4a: {  	_ =	shalt  }
0x4b: {  	_ =	shalt  }
0x4c: {  	_ =	shalt  }
0x4d: {  	_ =	shalt  }
0x4e: {  	_ =	shalt  }
0x4f: {  	_ =	shalt  }
0x50: {  	_ =	shalt  }
0x51: {  	_ =	shalt  }
0x52: {  	_ =	shalt  }
0x53: {  	_ =	shalt  }
0x54: {  	_ =	shalt  }
0x55: {  	_ =	shalt  }
0x56: {  	_ =	shalt  }
0x57: {  	_ =	shalt  }
0x58: {  	_ =	shalt  }
0x59: {  	_ =	shalt  }
0x5a: {  	_ =	shalt  }
0x5b: {  	_ =	shalt  }
0x5c: {  	_ =	shalt  }
0x5d: {  	_ =	shalt  }
0x5e: {  	_ =	shalt  }
0x5f: {  	_ =	shalt  }
0x60: {  	_ =	shalt  }
0x61: {  	_ =	shalt  }
0x62: {  	_ =	shalt  }
0x63: {  	_ =	shalt  }
0x64: {  	_ =	shalt  }
0x65: {  	_ =	shalt  }
0x66: {  	_ =	shalt  }
0x67: {  	_ =	shalt  }
0x68: {  	_ =	shalt  }
0x69: {  	_ =	shalt  }
0x6a: {  	_ =	shalt  }
0x6b: {  	_ =	shalt  }
0x6c: {  	_ =	shalt  }
0x6d: {  	_ =	shalt  }
0x6e: {  	_ =	shalt  }
0x6f: {  	_ =	shalt  }
0x70: {  	_ =	shalt  }
0x71: {  	_ =	shalt  }
0x72: {  	_ =	shalt  }
0x73: {  	_ =	shalt  }
0x74: {  	_ =	shalt  }
0x75: {  	_ =	shalt  }
0x76: {  	_ =	shalt  }
0x77: {  	_ =	shalt  }
0x78: {  	_ =	shalt  }
0x79: {  	_ =	shalt  }
0x7a: {  	_ =	shalt  }
0x7b: {  	_ =	shalt  }
0x7c: {  	_ =	shalt  }
0x7d: {  	_ =	shalt  }
0x7e: {  	_ =	shalt  }
0x7f: {  	_ =	shalt  }
0x80: {  	_ =	shalt  }
0x81: {  	_ =	shalt  }
0x82: {  	_ =	shalt  }
0x83: {  	_ =	shalt  }
0x84: {  	_ =	shalt  }
0x85: {  	_ =	shalt  }
0x86: {  	_ =	shalt  }
0x87: {  	_ =	shalt  }
.Lfunc_end0:
.L_simem_size_0:
called_computation.1_lowered:
.L_overlay_start_0:
0x88: {  	s2 =	sld [smem:$0x3FD9]  }
0x89: {  	s3 =	sld [smem:$0x3FFE];
	_ =	sdelay $0x1  }
0x8a: {  	s1 =	srdreg.scid  }
0x8b: {  	s0 =	sand.u32 $0x1, s1  }
0x8c: {  	s16 =	sshll.u32 s0, $0xA;
	s2 =	sadd.s32 s3, s2  }
0x8d: {  	s2 =	sadd.s32 s2, s16  }
0x8e: {  	[smem:$0x3FC0] =	sst s2  }
0x8f: {  	_ = 	snop  }
0x90: {  	(tm) =	ssettm $0x1  }
0x91: {  	s17 =	sld [smem:$0x3FFB];
	_ =	sdelay $0x3  }
0x92: {  	_ =	strace s17  }
0x93: {  	s2 =	sld [smem:$0x3FFC];
	_ =	sdelay $0x3  }
0x94: {  	_ =	strace s2  }
0x95: {  	s2 =	sld [smem:$0x3FFD];
	_ =	sdelay $0x3  }
0x96: {  	_ =	strace s2  }
0x97: {  	_ =	strace $0x8FFFFFFF  }
0x98: {  	s18 =	sld [smem:$0x3FDB];
	_ =	sdelay $0x1  }
0x99: {  	s19 =	simm.s32 $_scs_section_size  }
0x9a: {  	s4 =	simm.s32 $_size__tile_overlayer_lowered;
	s5 =	simm.s32 $_tile_overlayer_lowered  }
0x9b: {  	s22 =	simm.s32 $0x1BFF;
	s21 =	sshll.u32 s5, $0x1;
	s2 =	sadd.s32 s19, s18  }
0x9c: {  	s6 =	simm.s32 $0x0;
	s20 =	sshll.u32 s4, $0x1;
	s4 =	sadd.s32 s21, s2  }
0x9d: {  	[timem:s6], [sflag:s22] =	dma.local [hbm:s4], s20  }
0x9e: {  	_ =	swait.ge [sflag:s22], s20  }
0x9f: {  	s3 =	ssub.s32 $0x0, s20;
	[sflag:s22] =	ssyncset.done $0x0  }
0xa0: {  	[sflag:s22] =	ssyncadd.s32 s3;
	_ =	sdelay $0x1  }
0xa1: {  	s23 =	simm.s32 $0x1B8B  }
0xa2: {  	_ =	swait.ge [sflag:s23], $0x1  }
0xa3: {  	[sflag:s23] =	ssyncset.done $0x0  }
0xa4: {  	s25 =	simm.s32 $0x1B8E;
	s24 =	sld [smem:$0x3FFE];
	[sflag:s23] =	ssyncadd.s32 $0xFFFFFFFF  }
0xa5: {  	s26 =	simm.s32 $execute0_lowered;
	[smem:$0x3FD2] =	sst s25  }
0xa6: {  	s4 =	sshll.u32 s26, $0x1;
	_ =	strace $0x80000049;
	[dreg:$0x1] =	wrdreg $0xFFFFFFFF  }
0xa7: {  	s28 =	simm.s32 $_size_execute0_lowered;
	s2 =	sadd.s32 s2, s4;
	[dreg:$0x0] =	wrdreg $0x0  }
0xa8: {  	s4 =	sshll.u32 s28, $0x1;
	[dreg:$0x2] =	wrdreg s2  }
0xa9: {  	[dreg:$0x3] =	wrdreg s4  }
0xaa: {  	[dreg:$0x4] =	wrdreg $0xC0  }
0xab: {  	_ =	task [dreg:s6], $0x5FFFF  }
0xac: {  	[dreg:$0x1] =	wrdreg $0xFFFFFFFF  }
0xad: {  	[dreg:$0x0] =	wrdreg $0x60  }
0xae: {  	[dreg:$0x2] =	wrdreg s24  }
0xaf: {  	[dreg:$0x3] =	wrdreg $0xA0000  }
0xb0: {  	[dreg:$0x4] =	wrdreg $0x9  }
0xb1: {  	_ =	task.clear_ibuf [dreg:s6], $0x5FFFF;
	_ =	strace $0x90000049  }
0xb2: {  	s29 =	simm.s32 $0x9;
	_ =	strace $0x8000004B  }
0xb3: {  	_ =	swait.ge [sflag:s29], $0x1  }
0xb4: {  	[sflag:s29] =	ssyncadd.s32 $0xFFFFFFFF  }
0xb5: {  	_ =	strace $0x9000004B  }
0xb6: {  	_ =	sfence  }
0xb7: {  	s30 =	sld [smem:$0x0];
	_ =	sdelay $0x2  }
0xb8: {  	s31 =	sshll.u32 s1, $0xD;
	s1 =	sshrl.u32 s1, $0x2  }
0xb9: {  	s3 =	sand.u32 $0x4000, s31;
	s1 =	sadd.s32 s1, s30  }
0xba: {  	s0 =	sor.u32 s3, s0;
	s1 =	sshll.u32 s1, $0x11  }
0xbb: {  	s0 =	sor.u32 s1, s0  }
0xbc: {  	s0 =	sadd.s32 $0x8F2B, s0  }
0xbd: {  	[sflag:s0] =	ssyncadd.remote.s32 $0x1  }
0xbe: {  	_ =	sfence.sel $0xFFFF  }
0xbf: {  	[dreg:$0x0] =	wrdreg $0xFFFFFFFF;
	(pc) =	sbr.abs _section_cstart, $3  }
0xc0: {  	[dreg:$0x1] =	wrdreg $0xFFFFFFFF  }
0xc1: {  	_ =	task.clear_ibuf [dreg:s6], $0x2FFFF;
	_ =	strace $0x9FFFFFFF  }
0xc2: {  	(tm) =	ssettm $0x7FFFFFFF  }
0xc3: {  	_ =	shalt  }
tec
execute0_lowered:
.L_overlay_start_1:
0x0: {  	(tag) =	ssettag $0x1  }
0x1: {  	s1 =	srdreg.scid;
	s5 =	rddreg [dreg:$0x0]  }
0x2: {  	s0 =	stileid.u32;
	s2 =	rddreg [dreg:$0x1]  }
0x3: {  	s3 =	simm.s32 $0x0;
	s15 =	simm.s32 $0x6000;
	s16 =	simm.s32 $0x2  }
0x4: {  	s17 =	simm.s32 $0x80;
	s18 =	simm.s32 $0x1;
	s10 =	sand.u32 $0x1, s1  }
0x5: {  	s28 =	sshll.u32 s0, $0x1;
	[smem:$0x7FF] =	sst s3;
	s8 =	smul.u32 $0x14000, s0  }
0x6: {  	s4 =	sadd.s32 $0x22200, s5;
	s9 =	smul.u32 $0x50000, s0;
	s19 =	sshll.u32 s0, $0x6  }
0x7: {  	s1 =	sor.u32 s10, s28;
	s7 =	smul.u32 $0x140000, s10;
	s30 =	ssub.s32 $0x2, s10  }
0x8: {  	p0 =	seq.s32 s10, $0x0;
	s10 =	simm.s32 $0x5B;
	s19 =	sor.u32 $0x1C02, s19  }
0x9: {  	s6 =	smul.u32 $0x600, s1;
	s1 =	rddreg [dreg:$0x2];
	_ =	strace $0x8000004A  }
0xa: {  	s31 =	sshrl.u32 s30, $0x1;
	s9 =	sshrl.u32 s9, $0x2;
	s29 =	sadd.s32 s8, s7  }
0xb: {  	s14 =	ssub.s32 s30, s31;
	s12 =	sadd.s32 s6, s5;
	s6 =	sshrl.u32 s29, $0x3  }
0xc: {  	s10 =	simm.s32 @!p0 $0x42;
	s14 =	smax.u32 s14, $0x1;
	s13 =	sadd.s32 s6, s5  }
0xd: {  	s5 =	sadd.s32 s9, s2;
	s11 =	sadd.s32 $0x2600, s12;
	s12 =	sadd.s32 $0x16200, s12  }
0xe: {  	s6 =	sadd.s32 $0x4000, s5;
	s7 =	sadd.s32 $0x8000, s5;
	s8 =	sadd.s32 $0xC000, s5  }
0xf: {  	v0 =	vimm.f32 $0.0e+00;
	s9 =	sadd.s32 $0x10000, s5;
	s13 =	sadd.s32 $0x49400, s13;
	s20 =	sshrl.u32 s5, $0x3  }
.LBB2_1:
0x10: {  	s21 =	simm.s32 $0x0;
	s22 =	simm.s32 $0x200  }
.LBB2_2:
0x11: {  	p0 =	sne.s32 s22, $0xFE00;
	[tilespmem:s21+$0x6070] =	vst v0  }
0x12: {  	[tilespmem:s21+$0x6000] =	vst v0  }
0x13: {  	[tilespmem:s21+$0x6010] =	vst v0  }
.Ltmp0:
0x14: {  	[tilespmem:s21+$0x6020] =	vst v0;
	(pc) =	sbr.rel @p0 .LBB2_2-.Ltmp0, $4  }
0x15: {  	[tilespmem:s21+$0x6030] =	vst v0  }
0x16: {  	[tilespmem:s21+$0x6040] =	vst v0  }
0x17: {  	[tilespmem:s21+$0x6050] =	vst v0  }
0x18: {  	[tilespmem:s21+$0x6060] =	vst v0;
	s21 =	sshra.s32 s22, $0x2;
	s22 =	sadd.s32 $0x200, s22  }
0x19: {  	[tilespmem:s21+$0x6070] =	vst v0  }
0x1a: {  	[tilespmem:s21+$0x6000] =	vst v0  }
0x1b: {  	[tilespmem:s21+$0x6010] =	vst v0  }
0x1c: {  	[tilespmem:s21+$0x6020] =	vst v0  }
0x1d: {  	[tilespmem:s21+$0x6030] =	vst v0  }
0x1e: {  	[tilespmem:s21+$0x6040] =	vst v0  }
0x1f: {  	[tilespmem:s21+$0x6050] =	vst v0  }
0x20: {  	[tilespmem:s21+$0x6060] =	vst v0  }
0x21: {  	[spmem:s5] =	stream.linear.scatter [tilespmem:s15], [sflag:$0x2], $0x4000, $0x38;
	[tilespmem:$0x1E000] =	vst v63  }
0x22: {  	_ =	swait.ge [sflag:s16], $0x4000  }
0x23: {  	[sflag:s16] =	ssyncset.done $0x0  }
0x24: {  	[sflag:s16] =	ssyncadd.s32 $0xFFFFC000  }
0x25: {  	[spmem:s6] =	stream.linear.scatter [tilespmem:s15], [sflag:$0x2], $0x4000, $0x38;
	[tilespmem:$0x1E000] =	vst v63  }
0x26: {  	_ =	swait.ge [sflag:s16], $0x4000  }
0x27: {  	[sflag:s16] =	ssyncset.done $0x0  }
0x28: {  	[sflag:s16] =	ssyncadd.s32 $0xFFFFC000  }
0x29: {  	[spmem:s7] =	stream.linear.scatter [tilespmem:s15], [sflag:$0x2], $0x4000, $0x38;
	[tilespmem:$0x1E000] =	vst v63  }
0x2a: {  	_ =	swait.ge [sflag:s16], $0x4000  }
0x2b: {  	[sflag:s16] =	ssyncset.done $0x0  }
0x2c: {  	[sflag:s16] =	ssyncadd.s32 $0xFFFFC000  }
0x2d: {  	[spmem:s8] =	stream.linear.scatter [tilespmem:s15], [sflag:$0x2], $0x4000, $0x38;
	[tilespmem:$0x1E000] =	vst v63  }
0x2e: {  	_ =	swait.ge [sflag:s16], $0x4000  }
0x2f: {  	[sflag:s16] =	ssyncset.done $0x0  }
0x30: {  	[sflag:s16] =	ssyncadd.s32 $0xFFFFC000  }
0x31: {  	[spmem:s9] =	stream.linear.scatter [tilespmem:s15], [sflag:$0x2], $0x4000, $0x38;
	[tilespmem:$0x1E000] =	vst v63  }
0x32: {  	_ =	swait.ge [sflag:s16], $0x4000  }
0x33: {  	[sflag:s16] =	ssyncset.done $0x0  }
0x34: {  	s21 =	simm.s32 $0x0;
	[sflag:s16] =	ssyncadd.s32 $0xFFFFC000  }
0x35: {  	[tilespmem:s21], [sflag:$0x2] =	stream.linear.gather [hbm4b:s11+s21], $0x2D80, $0x38;
	[tilespmem:$0x1E000] =	vst v63  }
0x36: {  	_ =	swait.ge [sflag:s16], $0x2D80  }
0x37: {  	[sflag:s16] =	ssyncset.done $0x0  }
0x38: {  	s22 =	simm.s32 $0x3000;
	[sflag:s16] =	ssyncadd.s32 $0xFFFFD280  }
0x39: {  	[tilespmem:s22], [sflag:$0x2] =	stream.linear.gather [hbm4b:s12+s21], $0x2D80, $0x38;
	[tilespmem:$0x1E000] =	vst v63  }
0x3a: {  	_ =	swait.ge [sflag:s16], $0x2D80  }
0x3b: {  	[sflag:s16] =	ssyncset.done $0x0  }
0x3c: {  	[sflag:s16] =	ssyncadd.s32 $0xFFFFD280  }
0x3d: {  	[bflag:$0x0] =	sbarrier.arrive $0xFFFF  }
0x3e: {  	[tilespmem:s15], [sflag:$0x1] =	stream.indirect.gather [hbm4b:s4+s17], $0x80, s21, s17, $0xb8;
	[tilespmem:$0x1E000] =	vst v63  }
0x3f: {  	p0 =	sne.s32 s10, $0x1;
	_ =	swait.ge [sflag:s18], $0x4000  }
.Ltmp1:
0x40: {  	[sflag:s18] =	ssyncset.done $0x0;
	(pc) =	sbr.rel @!p0 .LBB2_5-.Ltmp1, $4  }
0x41: {  	[sflag:s18] =	ssyncadd.s32 $0xFFFFC000  }
0x42: {  	[spmem:s2] =	stream.indirect.scatter.add.f32 [tilespmem:s15], [sflag:$0x2], $0x80, s22, s17, $0xb8;
	[tilespmem:$0x1E000] =	vst v63  }
0x43: {  	_ =	swait.ge [sflag:s16], $0x4000  }
0x44: {  	s23 =	sadd.s32 $0xFFFFFFFF, s10;
	[sflag:s16] =	ssyncset.done $0x0  }
.LBB2_4:
0x45: {  	[sflag:s16] =	ssyncadd.s32 $0xFFFFC000;
	s21 =	sadd.s32 $0x80, s21;
	s22 =	sadd.s32 $0x80, s22  }
0x46: {  	[tilespmem:s15], [sflag:$0x1] =	stream.indirect.gather [hbm4b:s4+s17], $0x80, s21, s17, $0xb8;
	[tilespmem:$0x1E000] =	vst v63  }
0x47: {  	p0 =	sne.s32 s23, $0x1;
	s23 =	sadd.s32 $0xFFFFFFFF, s23;
	_ =	swait.ge [sflag:s18], $0x4000  }
.Ltmp2:
0x48: {  	[sflag:s18] =	ssyncset.done $0x0;
	(pc) =	sbr.rel @p0 .LBB2_4-.Ltmp2, $4  }
0x49: {  	[sflag:s18] =	ssyncadd.s32 $0xFFFFC000  }
0x4a: {  	[spmem:s2] =	stream.indirect.scatter.add.f32 [tilespmem:s15], [sflag:$0x2], $0x80, s22, s17, $0xb8;
	[tilespmem:$0x1E000] =	vst v63  }
0x4b: {  	_ =	swait.ge [sflag:s16], $0x4000  }
0x4c: {  	[sflag:s16] =	ssyncset.done $0x0  }
.LBB2_5:
0x4d: {  	s3 =	sadd.s32 $0x1, s3  }
0x4e: {  	[sflag:s16] =	ssyncadd.s32 $0xFFFFC000;
	p0 =	sne.s32 s3, s14  }
.Ltmp3:
0x4f: {  	[bflag:$0x0] =	sbarrier.arrive $0xFFFF;
	(pc) =	sbr.rel @p0 .LBB2_1-.Ltmp3, $4  }
0x50: {  	[hbm:s13], [sflag:s19] =	dma.local [spmem:s20], $0x2800  }
0x51: {  	_ =	swait.ge [sflag:s16], $0x2800  }
0x52: {  	[sflag:s16] =	ssyncset.done $0x0  }
0x53: {  	[sflag:s16] =	ssyncadd.s32 $0xFFFFD800  }
0x54: {  	_ =	sfence.sel $0x180000  }
0x55: {  	[bflag:$0x0] =	sbarrier.arrive $0xFFFF  }
0x56: {  	p0 =	sne.s32 s0, $0x0;
	_ =	strace $0x9000004A  }
0x57: {  	s0 =	sadd.s32 @!p0 $0x100000, s1;
	[bflag:$0x2] =	sbarrier.arrive $0xFFFF  }
0x58: {  	[sflag:s0] =	ssyncadd.tile.s32 @!p0 $0x1;
	_ =	shalt  }
.Lfunc_end2:
_tile_overlayer_lowered:
.L_overlay_start_2:
0x59: {  	(tag) =	ssettag $0x2  }
0x5a: {  	s0 =	rddreg [dreg:$0x0];
	s2 =	stileid.u32  }
0x5b: {  	s1 =	rddreg [dreg:$0x1];
	p0 =	sne.s32 s2, $0x0  }
0x5c: {  	s3 =	rddreg [dreg:$0x2];
	[bflag:$0x3] =	sbarrier.arrive $0xFFFF;
	s2 =	simm.s32 @!p0 $0x1C02  }
0x5d: {  	[timem:s3], [sflag:s2] =	dma.local @!p0 [hbm:s0], s1  }
0x5e: {  	s0 =	simm.s32 @!p0 $0x2  }
0x5f: {  	_ =	swait.ge @!p0 [sflag:s0], s1  }
0x60: {  	s1 =	ssub.s32 @!p0 $0x0, s1;
	[sflag:s0] =	ssyncset.done @!p0 $0x0  }
0x61: {  	[sflag:s0] =	ssyncadd.s32 @!p0 s1  }
0x62: {  	[bflag:$0x3] =	sbarrier.arrive $0xFFFF  }
0x63: {  	_ =	shalt  }

</sc_bundles>
